<compile_context>
chip_gen: v7x
topology: tpu7x:2x2x1
jax: 0.10.2.dev20260603
libtpu: 0.0.44.dev20260713+nightly
codegen_flags: <defaults>
</compile_context>

<pallas_src>
import functools

import jax
import jax.numpy as jnp
from jax import lax
from jax.experimental import pallas as pl
from jax.experimental.pallas import tpu as pltpu
from jax.experimental.pallas import tpu_sc as plsc

_NUM_CORES = 2
_NUM_SUBCORES = 16
_LANES = 16
_NBUF = 4
_C = 128
_NSPLIT = 2


def kernel(x, token_table, pos_table):
    B, S = x.shape
    V, D = token_table.shape
    n_tok = B * S
    n_chunks = n_tok // _C
    nw = _NUM_CORES * _NUM_SUBCORES
    chunks_per_w = n_chunks // nw
    n_steps = chunks_per_w // _NBUF

    idx = x.reshape(n_chunks, _C).astype(jnp.int32)

    mesh = plsc.VectorSubcoreMesh(core_axis_name="c", subcore_axis_name="s")

    @functools.partial(
        pl.kernel,
        mesh=mesh,
        out_type=jax.ShapeDtypeStruct((n_tok, D), jnp.float32),
        scratch_types=[
            pltpu.VMEM((chunks_per_w, _C), jnp.int32),
            pltpu.VMEM((S, D), jnp.float32),
            [pltpu.VMEM((_C, D), jnp.float32)] * _NBUF,
            [pltpu.SemaphoreType.DMA] * (_NSPLIT * _NBUF),
            [pltpu.SemaphoreType.DMA] * _NBUF,
        ],
    )
    def emb_kernel(idx_hbm, tok_hbm, pos_hbm, out_hbm, idx_v, pos_v, bufs,
                   gsems, ssems):
        wid = lax.axis_index("s") * _NUM_CORES + lax.axis_index("c")
        base = wid * chunks_per_w
        pltpu.sync_copy(pos_hbm, pos_v)
        pltpu.sync_copy(idx_hbm.at[pl.ds(base, chunks_per_w)], idx_v)

        H = _C // _NSPLIT

        def gather_part(kk, b, h):
            return pltpu.make_async_copy(
                tok_hbm.at[idx_v.at[kk, pl.ds(h * H, H)]],
                bufs[b].at[pl.ds(h * H, H)],
                gsems[_NSPLIT * b + h])

        def gather_start(kk, b):
            for h in range(_NSPLIT):
                gather_part(kk, b, h).start()

        def gather_wait(kk, b):
            for h in range(_NSPLIT):
                gather_part(kk, b, h).wait()

        def store(kk, b):
            return pltpu.make_async_copy(
                bufs[b], out_hbm.at[pl.ds((base + kk) * _C, _C)], ssems[b])

        gather_start(0, 0)
        gather_start(1, 1)

        def step_body(k, carry):
            for b in range(_NBUF):
                kk = k * _NBUF + b
                gather_wait(kk, b)

                b2 = (b + 2) % _NBUF

                @pl.when(kk >= 2)
                def _wait_prev_store():
                    store(kk - 2, b2).wait()

                @pl.when(kk + 2 < chunks_per_w)
                def _issue_next_gather():
                    gather_start(kk + 2, b2)

                start = ((base + kk) * _C) % S
                buf = bufs[b]

                @plsc.parallel_loop(0, _C, step=1, unroll=4)
                def row_add(i):
                    r = start + i
                    r = r - jnp.where(r >= S, S, 0)
                    vals = [
                        buf[i, pl.ds(j * _LANES, _LANES)]
                        + pos_v[r, pl.ds(j * _LANES, _LANES)]
                        for j in range(D // _LANES)
                    ]
                    for j in range(D // _LANES):
                        buf[i, pl.ds(j * _LANES, _LANES)] = vals[j]

                store(kk, b).start()
            return carry

        lax.fori_loop(0, n_steps, step_body, 0)

        store(chunks_per_w - 2, (chunks_per_w - 2) % _NBUF).wait()
        store(chunks_per_w - 1, (chunks_per_w - 1) % _NBUF).wait()

    out = emb_kernel(idx, token_table, pos_table)
    return out.reshape(B, S, D)

# --- scband reference (transcript-rebuilt; emitter-appended) ---
"""Pipeline reference for scband-positional-embedding-45681272160392 (READ-ONLY COPY).

The authoritative reference and input builder live on the scoring server;
editing this copy changes nothing except your own understanding.
"""

import jax, jax.numpy as jnp
import numpy as np

VOCAB = 100000
MAX_LEN = 200
EMB = 128
BATCH = 4096
SEQ = 200

def setup_inputs(seed: int = 0) -> dict:
    key = jax.random.key(seed)
    k1, k2, k3 = jax.random.split(key, 3)
    x = jax.random.randint(k1, (BATCH, SEQ), 0, VOCAB, dtype=jnp.int64 if jax.config.jax_enable_x64 else jnp.int32)
    token_table = jax.random.normal(k2, (VOCAB, EMB), dtype=jnp.float32) * 0.02
    pos_table = jax.random.normal(k3, (MAX_LEN, EMB), dtype=jnp.float32) * 0.02
    return {"x": x, "token_table": token_table, "pos_table": pos_table}

def reference(x, token_table, pos_table):
    # positions = range(seq_len); pos embedding lookup
    seq_len = x.shape[1]
    positions = jnp.arange(seq_len)
    pos_emb = jnp.take(pos_table, positions, axis=0)  # [SEQ, EMB]
    tok_emb = jnp.take(token_table, x, axis=0)        # [B, SEQ, EMB]
    out = tok_emb + pos_emb[None, :, :]
    # dropout is identity at inference (training=False)
    return out

if __name__ == "__main__":
    import jax
    _d = setup_inputs()
    print(jax.jit(kernel)(*tuple(_d.values())))

</pallas_src>

<mosaic_0001>
#map = affine_map<(d0, d1) -> (0, 0)>
module attributes {stable_mosaic.version = 14 : i64} {
  func.func @emb_kernel(%arg0: i32, %arg1: i32, %arg2: memref<6400x128xi32, #tpu.memory_space<hbm>>, %arg3: memref<100000x128xf32, #tpu.memory_space<hbm>>, %arg4: memref<200x128xf32, #tpu.memory_space<hbm>>, %arg5: memref<819200x128xf32, #tpu.memory_space<hbm>>, %arg6: memref<200x128xi32, #tpu.memory_space<vmem>>, %arg7: memref<200x128xf32, #tpu.memory_space<vmem>>, %arg8: memref<128x128xf32, #tpu.memory_space<vmem>>, %arg9: memref<128x128xf32, #tpu.memory_space<vmem>>, %arg10: memref<128x128xf32, #tpu.memory_space<vmem>>, %arg11: memref<128x128xf32, #tpu.memory_space<vmem>>, %arg12: memref<!tpu.dma_semaphore, #tpu.memory_space<semaphore_mem>>, %arg13: memref<!tpu.dma_semaphore, #tpu.memory_space<semaphore_mem>>, %arg14: memref<!tpu.dma_semaphore, #tpu.memory_space<semaphore_mem>>, %arg15: memref<!tpu.dma_semaphore, #tpu.memory_space<semaphore_mem>>, %arg16: memref<!tpu.dma_semaphore, #tpu.memory_space<semaphore_mem>>, %arg17: memref<!tpu.dma_semaphore, #tpu.memory_space<semaphore_mem>>, %arg18: memref<!tpu.dma_semaphore, #tpu.memory_space<semaphore_mem>>, %arg19: memref<!tpu.dma_semaphore, #tpu.memory_space<semaphore_mem>>, %arg20: memref<!tpu.dma_semaphore, #tpu.memory_space<semaphore_mem>>, %arg21: memref<!tpu.dma_semaphore, #tpu.memory_space<semaphore_mem>>, %arg22: memref<!tpu.dma_semaphore, #tpu.memory_space<semaphore_mem>>, %arg23: memref<!tpu.dma_semaphore, #tpu.memory_space<semaphore_mem>>) attributes {dimension_semantics = [#tpu.dimension_semantics<core_parallel>, #tpu.dimension_semantics<subcore_parallel>], iteration_bounds = array<i64: 2, 16>, scalar_prefetch = 0 : i64, scratch_operands = 18 : i64, tpu.core_type = #tpu.core_type<sc_vector_subcore>, window_params = [{transform_indices = #map}, {transform_indices = #map}, {transform_indices = #map}, {transform_indices = #map}]} {
    %mul3A = arith.constant 2 : i32
    %mul3A_0 = arith.muli %arg1, %mul3A : i32
    %add3A = arith.addi %mul3A_0, %arg0 : i32
    %mul3A_1 = arith.constant 200 : i32
    %mul3A_2 = arith.muli %add3A, %mul3A_1 : i32
    "tpu.region"() ({
      %run_scoped3A = tpu.sem_alloc : memref<!tpu.dma_semaphore, #tpu.memory_space<semaphore_mem>>
      tpu.enqueue_dma source(%arg4 : memref<200x128xf32, #tpu.memory_space<hbm>>) target(%arg7 : memref<200x128xf32, #tpu.memory_space<vmem>>) target_semaphore(%run_scoped3A : memref<!tpu.dma_semaphore, #tpu.memory_space<semaphore_mem>>)
      tpu.wait_dma2 semaphore(%run_scoped3A : memref<!tpu.dma_semaphore, #tpu.memory_space<semaphore_mem>>) src(%arg4 : memref<200x128xf32, #tpu.memory_space<hbm>>) dst(%arg7 : memref<200x128xf32, #tpu.memory_space<vmem>>)
      tpu.yield
    }) : () -> ()
    "tpu.region"() ({
      %run_scoped3A = tpu.sem_alloc : memref<!tpu.dma_semaphore, #tpu.memory_space<semaphore_mem>>
      %dma_start3A_62 = arith.constant 0 : i32
      %dma_start3A_63 = tpu.memref_slice %arg2[%mul3A_2, %dma_start3A_62] : memref<6400x128xi32, #tpu.memory_space<hbm>> -> memref<200x128xi32, #tpu.memory_space<hbm>>
      %dma_start3A_64 = arith.constant 0 : i32
      %dma_start3A_65 = tpu.memref_slice %arg2[%mul3A_2, %dma_start3A_64] : memref<6400x128xi32, #tpu.memory_space<hbm>> -> memref<200x128xi32, #tpu.memory_space<hbm>>
      tpu.enqueue_dma source(%dma_start3A_65 : memref<200x128xi32, #tpu.memory_space<hbm>>) target(%arg6 : memref<200x128xi32, #tpu.memory_space<vmem>>) target_semaphore(%run_scoped3A : memref<!tpu.dma_semaphore, #tpu.memory_space<semaphore_mem>>)
      %dma_wait3A_66 = arith.constant 0 : i32
      %dma_wait3A_67 = tpu.memref_slice %arg2[%mul3A_2, %dma_wait3A_66] : memref<6400x128xi32, #tpu.memory_space<hbm>> -> memref<200x128xi32, #tpu.memory_space<hbm>>
      %dma_wait3A_68 = arith.constant 0 : i32
      %dma_wait3A_69 = tpu.memref_slice %arg2[%mul3A_2, %dma_wait3A_68] : memref<6400x128xi32, #tpu.memory_space<hbm>> -> memref<200x128xi32, #tpu.memory_space<hbm>>
      tpu.wait_dma2 semaphore(%run_scoped3A : memref<!tpu.dma_semaphore, #tpu.memory_space<semaphore_mem>>) src(%dma_wait3A_69 : memref<200x128xi32, #tpu.memory_space<hbm>>) dst(%arg6 : memref<200x128xi32, #tpu.memory_space<vmem>>)
      tpu.yield
    }) : () -> ()
    %dma_start3A = arith.constant 0 : i32
    %dma_start3A_3 = arith.constant 0 : i32
    %dma_start3A_4 = arith.constant 0 : i32
    %dma_start3A_5 = tpu.memref_slice %arg8[%dma_start3A_3, %dma_start3A_4] : memref<128x128xf32, #tpu.memory_space<vmem>> -> memref<64x128xf32, #tpu.memory_space<vmem>>
    %dma_start3A_6 = arith.constant 0 : i32
    %dma_start3A_7 = tpu.memref_slice %arg6[%dma_start3A, %dma_start3A_6] : memref<200x128xi32, #tpu.memory_space<vmem>> -> memref<1x64xi32, #tpu.memory_space<vmem>>
    %dma_start3A_8 = tpu.memref_squeeze %dma_start3A_7 : memref<1x64xi32, #tpu.memory_space<vmem>> -> memref<64xi32, #tpu.memory_space<vmem>>
    %dma_start3A_9 = arith.constant 0 : i32
    %dma_start3A_10 = arith.constant 0 : i32
    %dma_start3A_11 = tpu.memref_slice %arg3[%dma_start3A_9, %dma_start3A_10] : memref<100000x128xf32, #tpu.memory_space<hbm>> -> memref<100000x128xf32, #tpu.memory_space<hbm>>
    tpu.enqueue_indirect_dma source(%dma_start3A_11 : memref<100000x128xf32, #tpu.memory_space<hbm>>) target(%dma_start3A_5 : memref<64x128xf32, #tpu.memory_space<vmem>>) offsets(%dma_start3A_8 : memref<64xi32, #tpu.memory_space<vmem>>) semaphore(%arg12 : memref<!tpu.dma_semaphore, #tpu.memory_space<semaphore_mem>>)
    %dma_start3A_12 = arith.constant 0 : i32
    %dma_start3A_13 = arith.constant 64 : i32
    %dma_start3A_14 = arith.constant 0 : i32
    %dma_start3A_15 = tpu.memref_slice %arg8[%dma_start3A_13, %dma_start3A_14] : memref<128x128xf32, #tpu.memory_space<vmem>> -> memref<64x128xf32, #tpu.memory_space<vmem>>
    %dma_start3A_16 = arith.constant 64 : i32
    %dma_start3A_17 = tpu.memref_slice %arg6[%dma_start3A_12, %dma_start3A_16] : memref<200x128xi32, #tpu.memory_space<vmem>> -> memref<1x64xi32, #tpu.memory_space<vmem>>
    %dma_start3A_18 = tpu.memref_squeeze %dma_start3A_17 : memref<1x64xi32, #tpu.memory_space<vmem>> -> memref<64xi32, #tpu.memory_space<vmem>>
    %dma_start3A_19 = arith.constant 0 : i32
    %dma_start3A_20 = arith.constant 0 : i32
    %dma_start3A_21 = tpu.memref_slice %arg3[%dma_start3A_19, %dma_start3A_20] : memref<100000x128xf32, #tpu.memory_space<hbm>> -> memref<100000x128xf32, #tpu.memory_space<hbm>>
    tpu.enqueue_indirect_dma source(%dma_start3A_21 : memref<100000x128xf32, #tpu.memory_space<hbm>>) target(%dma_start3A_15 : memref<64x128xf32, #tpu.memory_space<vmem>>) offsets(%dma_start3A_18 : memref<64xi32, #tpu.memory_space<vmem>>) semaphore(%arg13 : memref<!tpu.dma_semaphore, #tpu.memory_space<semaphore_mem>>)
    %dma_start3A_22 = arith.constant 1 : i32
    %dma_start3A_23 = arith.constant 0 : i32
    %dma_start3A_24 = arith.constant 0 : i32
    %dma_start3A_25 = tpu.memref_slice %arg9[%dma_start3A_23, %dma_start3A_24] : memref<128x128xf32, #tpu.memory_space<vmem>> -> memref<64x128xf32, #tpu.memory_space<vmem>>
    %dma_start3A_26 = arith.constant 0 : i32
    %dma_start3A_27 = tpu.memref_slice %arg6[%dma_start3A_22, %dma_start3A_26] : memref<200x128xi32, #tpu.memory_space<vmem>> -> memref<1x64xi32, #tpu.memory_space<vmem>>
    %dma_start3A_28 = tpu.memref_squeeze %dma_start3A_27 : memref<1x64xi32, #tpu.memory_space<vmem>> -> memref<64xi32, #tpu.memory_space<vmem>>
    %dma_start3A_29 = arith.constant 0 : i32
    %dma_start3A_30 = arith.constant 0 : i32
    %dma_start3A_31 = tpu.memref_slice %arg3[%dma_start3A_29, %dma_start3A_30] : memref<100000x128xf32, #tpu.memory_space<hbm>> -> memref<100000x128xf32, #tpu.memory_space<hbm>>
    tpu.enqueue_indirect_dma source(%dma_start3A_31 : memref<100000x128xf32, #tpu.memory_space<hbm>>) target(%dma_start3A_25 : memref<64x128xf32, #tpu.memory_space<vmem>>) offsets(%dma_start3A_28 : memref<64xi32, #tpu.memory_space<vmem>>) semaphore(%arg14 : memref<!tpu.dma_semaphore, #tpu.memory_space<semaphore_mem>>)
    %dma_start3A_32 = arith.constant 1 : i32
    %dma_start3A_33 = arith.constant 64 : i32
    %dma_start3A_34 = arith.constant 0 : i32
    %dma_start3A_35 = tpu.memref_slice %arg9[%dma_start3A_33, %dma_start3A_34] : memref<128x128xf32, #tpu.memory_space<vmem>> -> memref<64x128xf32, #tpu.memory_space<vmem>>
    %dma_start3A_36 = arith.constant 64 : i32
    %dma_start3A_37 = tpu.memref_slice %arg6[%dma_start3A_32, %dma_start3A_36] : memref<200x128xi32, #tpu.memory_space<vmem>> -> memref<1x64xi32, #tpu.memory_space<vmem>>
    %dma_start3A_38 = tpu.memref_squeeze %dma_start3A_37 : memref<1x64xi32, #tpu.memory_space<vmem>> -> memref<64xi32, #tpu.memory_space<vmem>>
    %dma_start3A_39 = arith.constant 0 : i32
    %dma_start3A_40 = arith.constant 0 : i32
    %dma_start3A_41 = tpu.memref_slice %arg3[%dma_start3A_39, %dma_start3A_40] : memref<100000x128xf32, #tpu.memory_space<hbm>> -> memref<100000x128xf32, #tpu.memory_space<hbm>>
    tpu.enqueue_indirect_dma source(%dma_start3A_41 : memref<100000x128xf32, #tpu.memory_space<hbm>>) target(%dma_start3A_35 : memref<64x128xf32, #tpu.memory_space<vmem>>) offsets(%dma_start3A_38 : memref<64xi32, #tpu.memory_space<vmem>>) semaphore(%arg15 : memref<!tpu.dma_semaphore, #tpu.memory_space<semaphore_mem>>)
    %scan3A = arith.constant 0 : i32
    %scan3A_42 = arith.constant 0 : i32
    %scan3A_43 = arith.constant 50 : i32
    %scan3A_44 = arith.addi %scan3A_42, %scan3A_43 : i32
    %scan3A_45 = arith.constant 1 : i32
    scf.for %scan3A_62 = %scan3A_42 to %scan3A_44 step %scan3A_45  : i32 {
      %mul3A_63 = arith.constant 4 : i32
      %mul3A_64 = arith.muli %scan3A_62, %mul3A_63 : i32
      %add3A_65 = arith.constant 0 : i32
      %add3A_66 = arith.addi %mul3A_64, %add3A_65 : i32
      %dma_wait3A_67 = arith.constant 0 : i32
      %dma_wait3A_68 = arith.constant 0 : i32
      %dma_wait3A_69 = tpu.memref_slice %arg8[%dma_wait3A_67, %dma_wait3A_68] : memref<128x128xf32, #tpu.memory_space<vmem>> -> memref<64x128xf32, #tpu.memory_space<vmem>>
      %dma_wait3A_70 = arith.constant 0 : i32
      %dma_wait3A_71 = tpu.memref_slice %arg6[%add3A_66, %dma_wait3A_70] : memref<200x128xi32, #tpu.memory_space<vmem>> -> memref<1x64xi32, #tpu.memory_space<vmem>>
      %dma_wait3A_72 = tpu.memref_squeeze %dma_wait3A_71 : memref<1x64xi32, #tpu.memory_space<vmem>> -> memref<64xi32, #tpu.memory_space<vmem>>
      %dma_wait3A_73 = arith.constant 0 : i32
      %dma_wait3A_74 = arith.constant 0 : i32
      %dma_wait3A_75 = tpu.memref_slice %arg3[%dma_wait3A_73, %dma_wait3A_74] : memref<100000x128xf32, #tpu.memory_space<hbm>> -> memref<100000x128xf32, #tpu.memory_space<hbm>>
      tpu.wait_indirect_dma semaphore(%arg12 : memref<!tpu.dma_semaphore, #tpu.memory_space<semaphore_mem>>) src(%dma_wait3A_75 : memref<100000x128xf32, #tpu.memory_space<hbm>>) dst(%dma_wait3A_69 : memref<64x128xf32, #tpu.memory_space<vmem>>)
      %dma_wait3A_76 = arith.constant 64 : i32
      %dma_wait3A_77 = arith.constant 0 : i32
      %dma_wait3A_78 = tpu.memref_slice %arg8[%dma_wait3A_76, %dma_wait3A_77] : memref<128x128xf32, #tpu.memory_space<vmem>> -> memref<64x128xf32, #tpu.memory_space<vmem>>
      %dma_wait3A_79 = arith.constant 64 : i32
      %dma_wait3A_80 = tpu.memref_slice %arg6[%add3A_66, %dma_wait3A_79] : memref<200x128xi32, #tpu.memory_space<vmem>> -> memref<1x64xi32, #tpu.memory_space<vmem>>
      %dma_wait3A_81 = tpu.memref_squeeze %dma_wait3A_80 : memref<1x64xi32, #tpu.memory_space<vmem>> -> memref<64xi32, #tpu.memory_space<vmem>>
      %dma_wait3A_82 = arith.constant 0 : i32
      %dma_wait3A_83 = arith.constant 0 : i32
      %dma_wait3A_84 = tpu.memref_slice %arg3[%dma_wait3A_82, %dma_wait3A_83] : memref<100000x128xf32, #tpu.memory_space<hbm>> -> memref<100000x128xf32, #tpu.memory_space<hbm>>
      tpu.wait_indirect_dma semaphore(%arg13 : memref<!tpu.dma_semaphore, #tpu.memory_space<semaphore_mem>>) src(%dma_wait3A_84 : memref<100000x128xf32, #tpu.memory_space<hbm>>) dst(%dma_wait3A_78 : memref<64x128xf32, #tpu.memory_space<vmem>>)
      %ge3A = arith.constant 2 : i32
      %ge3A_85 = arith.cmpi sge, %add3A_66, %ge3A : i32
      %convert_element_type3A = arith.extui %ge3A_85 : i1 to i32
      %cond3A = arith.constant 0 : i32
      %cond3A_86 = arith.cmpi ne, %convert_element_type3A, %cond3A : i32
      scf.if %cond3A_86 {
        %sub3A = arith.constant 2 : i32
        %sub3A_304 = arith.subi %add3A_66, %sub3A : i32
        %add3A_305 = arith.addi %mul3A_2, %sub3A_304 : i32
        %mul3A_306 = arith.constant 128 : i32
        %mul3A_307 = arith.muli %add3A_305, %mul3A_306 : i32
        %dma_wait3A_308 = arith.constant 0 : i32
        %dma_wait3A_309 = tpu.memref_slice %arg5[%mul3A_307, %dma_wait3A_308] : memref<819200x128xf32, #tpu.memory_space<hbm>> -> memref<128x128xf32, #tpu.memory_space<hbm>>
        %dma_wait3A_310 = arith.constant 0 : i32
        %dma_wait3A_311 = tpu.memref_slice %arg5[%mul3A_307, %dma_wait3A_310] : memref<819200x128xf32, #tpu.memory_space<hbm>> -> memref<128x128xf32, #tpu.memory_space<hbm>>
        tpu.wait_dma2 semaphore(%arg22 : memref<!tpu.dma_semaphore, #tpu.memory_space<semaphore_mem>>) src(%arg10 : memref<128x128xf32, #tpu.memory_space<vmem>>) dst(%dma_wait3A_311 : memref<128x128xf32, #tpu.memory_space<hbm>>)
      } else {
      }
      %add3A_87 = arith.constant 2 : i32
      %add3A_88 = arith.addi %add3A_66, %add3A_87 : i32
      %lt3A = arith.constant 200 : i32
      %lt3A_89 = arith.cmpi slt, %add3A_88, %lt3A : i32
      %convert_element_type3A_90 = arith.extui %lt3A_89 : i1 to i32
      %cond3A_91 = arith.constant 0 : i32
      %cond3A_92 = arith.cmpi ne, %convert_element_type3A_90, %cond3A_91 : i32
      scf.if %cond3A_92 {
        %add3A_304 = arith.constant 2 : i32
        %add3A_305 = arith.addi %add3A_66, %add3A_304 : i32
        %dma_start3A_306 = arith.constant 0 : i32
        %dma_start3A_307 = arith.constant 0 : i32
        %dma_start3A_308 = tpu.memref_slice %arg10[%dma_start3A_306, %dma_start3A_307] : memref<128x128xf32, #tpu.memory_space<vmem>> -> memref<64x128xf32, #tpu.memory_space<vmem>>
        %dma_start3A_309 = arith.constant 0 : i32
        %dma_start3A_310 = tpu.memref_slice %arg6[%add3A_305, %dma_start3A_309] : memref<200x128xi32, #tpu.memory_space<vmem>> -> memref<1x64xi32, #tpu.memory_space<vmem>>
        %dma_start3A_311 = tpu.memref_squeeze %dma_start3A_310 : memref<1x64xi32, #tpu.memory_space<vmem>> -> memref<64xi32, #tpu.memory_space<vmem>>
        %dma_start3A_312 = arith.constant 0 : i32
        %dma_start3A_313 = arith.constant 0 : i32
        %dma_start3A_314 = tpu.memref_slice %arg3[%dma_start3A_312, %dma_start3A_313] : memref<100000x128xf32, #tpu.memory_space<hbm>> -> memref<100000x128xf32, #tpu.memory_space<hbm>>
        tpu.enqueue_indirect_dma source(%dma_start3A_314 : memref<100000x128xf32, #tpu.memory_space<hbm>>) target(%dma_start3A_308 : memref<64x128xf32, #tpu.memory_space<vmem>>) offsets(%dma_start3A_311 : memref<64xi32, #tpu.memory_space<vmem>>) semaphore(%arg16 : memref<!tpu.dma_semaphore, #tpu.memory_space<semaphore_mem>>)
        %dma_start3A_315 = arith.constant 64 : i32
        %dma_start3A_316 = arith.constant 0 : i32
        %dma_start3A_317 = tpu.memref_slice %arg10[%dma_start3A_315, %dma_start3A_316] : memref<128x128xf32, #tpu.memory_space<vmem>> -> memref<64x128xf32, #tpu.memory_space<vmem>>
        %dma_start3A_318 = arith.constant 64 : i32
        %dma_start3A_319 = tpu.memref_slice %arg6[%add3A_305, %dma_start3A_318] : memref<200x128xi32, #tpu.memory_space<vmem>> -> memref<1x64xi32, #tpu.memory_space<vmem>>
        %dma_start3A_320 = tpu.memref_squeeze %dma_start3A_319 : memref<1x64xi32, #tpu.memory_space<vmem>> -> memref<64xi32, #tpu.memory_space<vmem>>
        %dma_start3A_321 = arith.constant 0 : i32
        %dma_start3A_322 = arith.constant 0 : i32
        %dma_start3A_323 = tpu.memref_slice %arg3[%dma_start3A_321, %dma_start3A_322] : memref<100000x128xf32, #tpu.memory_space<hbm>> -> memref<100000x128xf32, #tpu.memory_space<hbm>>
        tpu.enqueue_indirect_dma source(%dma_start3A_323 : memref<100000x128xf32, #tpu.memory_space<hbm>>) target(%dma_start3A_317 : memref<64x128xf32, #tpu.memory_space<vmem>>) offsets(%dma_start3A_320 : memref<64xi32, #tpu.memory_space<vmem>>) semaphore(%arg17 : memref<!tpu.dma_semaphore, #tpu.memory_space<semaphore_mem>>)
      } else {
      }
      %add3A_93 = arith.addi %mul3A_2, %add3A_66 : i32
      %mul3A_94 = arith.constant 128 : i32
      %mul3A_95 = arith.muli %add3A_93, %mul3A_94 : i32
      %jit3A = arith.constant 200 : i32
      %eq3A = arith.constant 0 : i32
      %eq3A_96 = arith.cmpi eq, %jit3A, %eq3A : i32
      %jit3A_97 = arith.constant 1 : i32
      %select_n3A = arith.select %eq3A_96, %jit3A_97, %jit3A : i32
      %rem3A = arith.remsi %mul3A_95, %select_n3A : i32
      %ne3A = arith.constant 0 : i32
      %ne3A_98 = arith.cmpi ne, %rem3A, %ne3A : i32
      %lt3A_99 = arith.constant 0 : i32
      %lt3A_100 = arith.cmpi slt, %rem3A, %lt3A_99 : i32
      %lt3A_101 = arith.constant 0 : i32
      %lt3A_102 = arith.cmpi slt, %select_n3A, %lt3A_101 : i32
      %ne3A_103 = arith.xori %lt3A_100, %lt3A_102 : i1
      %and3A = arith.andi %ne3A_103, %ne3A_98 : i1
      %add3A_104 = arith.addi %rem3A, %select_n3A : i32
      %select_n3A_105 = arith.select %and3A, %add3A_104, %rem3A : i32
      %parallel_loop3A = arith.constant 0 : i32
      %parallel_loop3A_106 = arith.constant 128 : i32
      %parallel_loop3A_107 = arith.constant 1 : i32
      scf.for %parallel_loop3A_304 = %parallel_loop3A to %parallel_loop3A_106 step %parallel_loop3A_107  : i32 {
        %parallel_loop3A_305 = arith.addi %select_n3A_105, %parallel_loop3A_304 : i32
        %parallel_loop3A_306 = arith.constant 200 : i32
        %parallel_loop3A_307 = arith.cmpi sge, %parallel_loop3A_305, %parallel_loop3A_306 : i32
        %parallel_loop3A_308 = arith.constant 200 : i32
        %parallel_loop3A_309 = arith.constant 0 : i32
        %parallel_loop3A_310 = arith.select %parallel_loop3A_307, %parallel_loop3A_308, %parallel_loop3A_309 : i32
        %parallel_loop3A_311 = arith.subi %parallel_loop3A_305, %parallel_loop3A_310 : i32
        %parallel_loop3A_312 = arith.index_cast %parallel_loop3A_304 : i32 to index
        %parallel_loop3A_313 = arith.constant 0 : index
        %parallel_loop3A_314 = tpu.vector_load %arg8[%parallel_loop3A_312, %parallel_loop3A_313] {strides = array<i32>} : memref<128x128xf32, #tpu.memory_space<vmem>>, vector<1x16xf32>,
        %parallel_loop3A_315 = vector.shape_cast %parallel_loop3A_314 : vector<1x16xf32> to vector<16xf32>
        %parallel_loop3A_316 = arith.index_cast %parallel_loop3A_311 : i32 to index
        %parallel_loop3A_317 = arith.constant 0 : index
        %parallel_loop3A_318 = tpu.vector_load %arg7[%parallel_loop3A_316, %parallel_loop3A_317] {strides = array<i32>} : memref<200x128xf32, #tpu.memory_space<vmem>>, vector<1x16xf32>,
        %parallel_loop3A_319 = vector.shape_cast %parallel_loop3A_318 : vector<1x16xf32> to vector<16xf32>
        %parallel_loop3A_320 = arith.addf %parallel_loop3A_315, %parallel_loop3A_319 : vector<16xf32>
        %parallel_loop3A_321 = arith.index_cast %parallel_loop3A_304 : i32 to index
        %parallel_loop3A_322 = arith.constant 16 : index
        %parallel_loop3A_323 = tpu.vector_load %arg8[%parallel_loop3A_321, %parallel_loop3A_322] {strides = array<i32>} : memref<128x128xf32, #tpu.memory_space<vmem>>, vector<1x16xf32>,
        %parallel_loop3A_324 = vector.shape_cast %parallel_loop3A_323 : vector<1x16xf32> to vector<16xf32>
        %parallel_loop3A_325 = arith.index_cast %parallel_loop3A_311 : i32 to index
        %parallel_loop3A_326 = arith.constant 16 : index
        %parallel_loop3A_327 = tpu.vector_load %arg7[%parallel_loop3A_325, %parallel_loop3A_326] {strides = array<i32>} : memref<200x128xf32, #tpu.memory_space<vmem>>, vector<1x16xf32>,
        %parallel_loop3A_328 = vector.shape_cast %parallel_loop3A_327 : vector<1x16xf32> to vector<16xf32>
        %parallel_loop3A_329 = arith.addf %parallel_loop3A_324, %parallel_loop3A_328 : vector<16xf32>
        %parallel_loop3A_330 = arith.index_cast %parallel_loop3A_304 : i32 to index
        %parallel_loop3A_331 = arith.constant 32 : index
        %parallel_loop3A_332 = tpu.vector_load %arg8[%parallel_loop3A_330, %parallel_loop3A_331] {strides = array<i32>} : memref<128x128xf32, #tpu.memory_space<vmem>>, vector<1x16xf32>,
        %parallel_loop3A_333 = vector.shape_cast %parallel_loop3A_332 : vector<1x16xf32> to vector<16xf32>
        %parallel_loop3A_334 = arith.index_cast %parallel_loop3A_311 : i32 to index
        %parallel_loop3A_335 = arith.constant 32 : index
        %parallel_loop3A_336 = tpu.vector_load %arg7[%parallel_loop3A_334, %parallel_loop3A_335] {strides = array<i32>} : memref<200x128xf32, #tpu.memory_space<vmem>>, vector<1x16xf32>,
        %parallel_loop3A_337 = vector.shape_cast %parallel_loop3A_336 : vector<1x16xf32> to vector<16xf32>
        %parallel_loop3A_338 = arith.addf %parallel_loop3A_333, %parallel_loop3A_337 : vector<16xf32>
        %parallel_loop3A_339 = arith.index_cast %parallel_loop3A_304 : i32 to index
        %parallel_loop3A_340 = arith.constant 48 : index
        %parallel_loop3A_341 = tpu.vector_load %arg8[%parallel_loop3A_339, %parallel_loop3A_340] {strides = array<i32>} : memref<128x128xf32, #tpu.memory_space<vmem>>, vector<1x16xf32>,
        %parallel_loop3A_342 = vector.shape_cast %parallel_loop3A_341 : vector<1x16xf32> to vector<16xf32>
        %parallel_loop3A_343 = arith.index_cast %parallel_loop3A_311 : i32 to index
        %parallel_loop3A_344 = arith.constant 48 : index
        %parallel_loop3A_345 = tpu.vector_load %arg7[%parallel_loop3A_343, %parallel_loop3A_344] {strides = array<i32>} : memref<200x128xf32, #tpu.memory_space<vmem>>, vector<1x16xf32>,
        %parallel_loop3A_346 = vector.shape_cast %parallel_loop3A_345 : vector<1x16xf32> to vector<16xf32>
        %parallel_loop3A_347 = arith.addf %parallel_loop3A_342, %parallel_loop3A_346 : vector<16xf32>
        %parallel_loop3A_348 = arith.index_cast %parallel_loop3A_304 : i32 to index
        %parallel_loop3A_349 = arith.constant 64 : index
        %parallel_loop3A_350 = tpu.vector_load %arg8[%parallel_loop3A_348, %parallel_loop3A_349] {strides = array<i32>} : memref<128x128xf32, #tpu.memory_space<vmem>>, vector<1x16xf32>,
        %parallel_loop3A_351 = vector.shape_cast %parallel_loop3A_350 : vector<1x16xf32> to vector<16xf32>
        %parallel_loop3A_352 = arith.index_cast %parallel_loop3A_311 : i32 to index
        %parallel_loop3A_353 = arith.constant 64 : index
        %parallel_loop3A_354 = tpu.vector_load %arg7[%parallel_loop3A_352, %parallel_loop3A_353] {strides = array<i32>} : memref<200x128xf32, #tpu.memory_space<vmem>>, vector<1x16xf32>,
        %parallel_loop3A_355 = vector.shape_cast %parallel_loop3A_354 : vector<1x16xf32> to vector<16xf32>
        %parallel_loop3A_356 = arith.addf %parallel_loop3A_351, %parallel_loop3A_355 : vector<16xf32>
        %parallel_loop3A_357 = arith.index_cast %parallel_loop3A_304 : i32 to index
        %parallel_loop3A_358 = arith.constant 80 : index
        %parallel_loop3A_359 = tpu.vector_load %arg8[%parallel_loop3A_357, %parallel_loop3A_358] {strides = array<i32>} : memref<128x128xf32, #tpu.memory_space<vmem>>, vector<1x16xf32>,
        %parallel_loop3A_360 = vector.shape_cast %parallel_loop3A_359 : vector<1x16xf32> to vector<16xf32>
        %parallel_loop3A_361 = arith.index_cast %parallel_loop3A_311 : i32 to index
        %parallel_loop3A_362 = arith.constant 80 : index
        %parallel_loop3A_363 = tpu.vector_load %arg7[%parallel_loop3A_361, %parallel_loop3A_362] {strides = array<i32>} : memref<200x128xf32, #tpu.memory_space<vmem>>, vector<1x16xf32>,
        %parallel_loop3A_364 = vector.shape_cast %parallel_loop3A_363 : vector<1x16xf32> to vector<16xf32>
        %parallel_loop3A_365 = arith.addf %parallel_loop3A_360, %parallel_loop3A_364 : vector<16xf32>
        %parallel_loop3A_366 = arith.index_cast %parallel_loop3A_304 : i32 to index
        %parallel_loop3A_367 = arith.constant 96 : index
        %parallel_loop3A_368 = tpu.vector_load %arg8[%parallel_loop3A_366, %parallel_loop3A_367] {strides = array<i32>} : memref<128x128xf32, #tpu.memory_space<vmem>>, vector<1x16xf32>,
        %parallel_loop3A_369 = vector.shape_cast %parallel_loop3A_368 : vector<1x16xf32> to vector<16xf32>
        %parallel_loop3A_370 = arith.index_cast %parallel_loop3A_311 : i32 to index
        %parallel_loop3A_371 = arith.constant 96 : index
        %parallel_loop3A_372 = tpu.vector_load %arg7[%parallel_loop3A_370, %parallel_loop3A_371] {strides = array<i32>} : memref<200x128xf32, #tpu.memory_space<vmem>>, vector<1x16xf32>,
        %parallel_loop3A_373 = vector.shape_cast %parallel_loop3A_372 : vector<1x16xf32> to vector<16xf32>
        %parallel_loop3A_374 = arith.addf %parallel_loop3A_369, %parallel_loop3A_373 : vector<16xf32>
        %parallel_loop3A_375 = arith.index_cast %parallel_loop3A_304 : i32 to index
        %parallel_loop3A_376 = arith.constant 112 : index
        %parallel_loop3A_377 = tpu.vector_load %arg8[%parallel_loop3A_375, %parallel_loop3A_376] {strides = array<i32>} : memref<128x128xf32, #tpu.memory_space<vmem>>, vector<1x16xf32>,
        %parallel_loop3A_378 = vector.shape_cast %parallel_loop3A_377 : vector<1x16xf32> to vector<16xf32>
        %parallel_loop3A_379 = arith.index_cast %parallel_loop3A_311 : i32 to index
        %parallel_loop3A_380 = arith.constant 112 : index
        %parallel_loop3A_381 = tpu.vector_load %arg7[%parallel_loop3A_379, %parallel_loop3A_380] {strides = array<i32>} : memref<200x128xf32, #tpu.memory_space<vmem>>, vector<1x16xf32>,
        %parallel_loop3A_382 = vector.shape_cast %parallel_loop3A_381 : vector<1x16xf32> to vector<16xf32>
        %parallel_loop3A_383 = arith.addf %parallel_loop3A_378, %parallel_loop3A_382 : vector<16xf32>
        %parallel_loop3A_384 = arith.index_cast %parallel_loop3A_304 : i32 to index
        %parallel_loop3A_385 = arith.constant 0 : index
        %parallel_loop3A_386 = tpu.vector_load %arg8[%parallel_loop3A_384, %parallel_loop3A_385] {strides = array<i32>} : memref<128x128xf32, #tpu.memory_space<vmem>>, vector<1x16xf32>,
        %parallel_loop3A_387 = vector.shape_cast %parallel_loop3A_386 : vector<1x16xf32> to vector<16xf32>
        %parallel_loop3A_388 = vector.shape_cast %parallel_loop3A_320 : vector<16xf32> to vector<1x16xf32>
        tpu.vector_store %arg8[%parallel_loop3A_384, %parallel_loop3A_385], %parallel_loop3A_388 {strides = array<i32>} : memref<128x128xf32, #tpu.memory_space<vmem>>, vector<1x16xf32>,
        %parallel_loop3A_389 = arith.index_cast %parallel_loop3A_304 : i32 to index
        %parallel_loop3A_390 = arith.constant 16 : index
        %parallel_loop3A_391 = tpu.vector_load %arg8[%parallel_loop3A_389, %parallel_loop3A_390] {strides = array<i32>} : memref<128x128xf32, #tpu.memory_space<vmem>>, vector<1x16xf32>,
        %parallel_loop3A_392 = vector.shape_cast %parallel_loop3A_391 : vector<1x16xf32> to vector<16xf32>
        %parallel_loop3A_393 = vector.shape_cast %parallel_loop3A_329 : vector<16xf32> to vector<1x16xf32>
        tpu.vector_store %arg8[%parallel_loop3A_389, %parallel_loop3A_390], %parallel_loop3A_393 {strides = array<i32>} : memref<128x128xf32, #tpu.memory_space<vmem>>, vector<1x16xf32>,
        %parallel_loop3A_394 = arith.index_cast %parallel_loop3A_304 : i32 to index
        %parallel_loop3A_395 = arith.constant 32 : index
        %parallel_loop3A_396 = tpu.vector_load %arg8[%parallel_loop3A_394, %parallel_loop3A_395] {strides = array<i32>} : memref<128x128xf32, #tpu.memory_space<vmem>>, vector<1x16xf32>,
        %parallel_loop3A_397 = vector.shape_cast %parallel_loop3A_396 : vector<1x16xf32> to vector<16xf32>
        %parallel_loop3A_398 = vector.shape_cast %parallel_loop3A_338 : vector<16xf32> to vector<1x16xf32>
        tpu.vector_store %arg8[%parallel_loop3A_394, %parallel_loop3A_395], %parallel_loop3A_398 {strides = array<i32>} : memref<128x128xf32, #tpu.memory_space<vmem>>, vector<1x16xf32>,
        %parallel_loop3A_399 = arith.index_cast %parallel_loop3A_304 : i32 to index
        %parallel_loop3A_400 = arith.constant 48 : index
        %parallel_loop3A_401 = tpu.vector_load %arg8[%parallel_loop3A_399, %parallel_loop3A_400] {strides = array<i32>} : memref<128x128xf32, #tpu.memory_space<vmem>>, vector<1x16xf32>,
        %parallel_loop3A_402 = vector.shape_cast %parallel_loop3A_401 : vector<1x16xf32> to vector<16xf32>
        %parallel_loop3A_403 = vector.shape_cast %parallel_loop3A_347 : vector<16xf32> to vector<1x16xf32>
        tpu.vector_store %arg8[%parallel_loop3A_399, %parallel_loop3A_400], %parallel_loop3A_403 {strides = array<i32>} : memref<128x128xf32, #tpu.memory_space<vmem>>, vector<1x16xf32>,
        %parallel_loop3A_404 = arith.index_cast %parallel_loop3A_304 : i32 to index
        %parallel_loop3A_405 = arith.constant 64 : index
        %parallel_loop3A_406 = tpu.vector_load %arg8[%parallel_loop3A_404, %parallel_loop3A_405] {strides = array<i32>} : memref<128x128xf32, #tpu.memory_space<vmem>>, vector<1x16xf32>,
        %parallel_loop3A_407 = vector.shape_cast %parallel_loop3A_406 : vector<1x16xf32> to vector<16xf32>
        %parallel_loop3A_408 = vector.shape_cast %parallel_loop3A_356 : vector<16xf32> to vector<1x16xf32>
        tpu.vector_store %arg8[%parallel_loop3A_404, %parallel_loop3A_405], %parallel_loop3A_408 {strides = array<i32>} : memref<128x128xf32, #tpu.memory_space<vmem>>, vector<1x16xf32>,
        %parallel_loop3A_409 = arith.index_cast %parallel_loop3A_304 : i32 to index
        %parallel_loop3A_410 = arith.constant 80 : index
        %parallel_loop3A_411 = tpu.vector_load %arg8[%parallel_loop3A_409, %parallel_loop3A_410] {strides = array<i32>} : memref<128x128xf32, #tpu.memory_space<vmem>>, vector<1x16xf32>,
        %parallel_loop3A_412 = vector.shape_cast %parallel_loop3A_411 : vector<1x16xf32> to vector<16xf32>
        %parallel_loop3A_413 = vector.shape_cast %parallel_loop3A_365 : vector<16xf32> to vector<1x16xf32>
        tpu.vector_store %arg8[%parallel_loop3A_409, %parallel_loop3A_410], %parallel_loop3A_413 {strides = array<i32>} : memref<128x128xf32, #tpu.memory_space<vmem>>, vector<1x16xf32>,
        %parallel_loop3A_414 = arith.index_cast %parallel_loop3A_304 : i32 to index
        %parallel_loop3A_415 = arith.constant 96 : index
        %parallel_loop3A_416 = tpu.vector_load %arg8[%parallel_loop3A_414, %parallel_loop3A_415] {strides = array<i32>} : memref<128x128xf32, #tpu.memory_space<vmem>>, vector<1x16xf32>,
        %parallel_loop3A_417 = vector.shape_cast %parallel_loop3A_416 : vector<1x16xf32> to vector<16xf32>
        %parallel_loop3A_418 = vector.shape_cast %parallel_loop3A_374 : vector<16xf32> to vector<1x16xf32>
        tpu.vector_store %arg8[%parallel_loop3A_414, %parallel_loop3A_415], %parallel_loop3A_418 {strides = array<i32>} : memref<128x128xf32, #tpu.memory_space<vmem>>, vector<1x16xf32>,
        %parallel_loop3A_419 = arith.index_cast %parallel_loop3A_304 : i32 to index
        %parallel_loop3A_420 = arith.constant 112 : index
        %parallel_loop3A_421 = tpu.vector_load %arg8[%parallel_loop3A_419, %parallel_loop3A_420] {strides = array<i32>} : memref<128x128xf32, #tpu.memory_space<vmem>>, vector<1x16xf32>,
        %parallel_loop3A_422 = vector.shape_cast %parallel_loop3A_421 : vector<1x16xf32> to vector<16xf32>
        %parallel_loop3A_423 = vector.shape_cast %parallel_loop3A_383 : vector<16xf32> to vector<1x16xf32>
        tpu.vector_store %arg8[%parallel_loop3A_419, %parallel_loop3A_420], %parallel_loop3A_423 {strides = array<i32>} : memref<128x128xf32, #tpu.memory_space<vmem>>, vector<1x16xf32>,
      } {sc.loop_unroll_factor = 4 : i64, sc.parallel_access}
      %add3A_108 = arith.addi %mul3A_2, %add3A_66 : i32
      %mul3A_109 = arith.constant 128 : i32
      %mul3A_110 = arith.muli %add3A_108, %mul3A_109 : i32
      %dma_start3A_111 = arith.constant 0 : i32
      %dma_start3A_112 = tpu.memref_slice %arg5[%mul3A_110, %dma_start3A_111] : memref<819200x128xf32, #tpu.memory_space<hbm>> -> memref<128x128xf32, #tpu.memory_space<hbm>>
      %dma_start3A_113 = arith.constant 0 : i32
      %dma_start3A_114 = tpu.memref_slice %arg5[%mul3A_110, %dma_start3A_113] : memref<819200x128xf32, #tpu.memory_space<hbm>> -> memref<128x128xf32, #tpu.memory_space<hbm>>
      tpu.enqueue_dma source(%arg8 : memref<128x128xf32, #tpu.memory_space<vmem>>) target(%dma_start3A_114 : memref<128x128xf32, #tpu.memory_space<hbm>>) target_semaphore(%arg20 : memref<!tpu.dma_semaphore, #tpu.memory_space<semaphore_mem>>)
      %mul3A_115 = arith.constant 4 : i32
      %mul3A_116 = arith.muli %scan3A_62, %mul3A_115 : i32
      %add3A_117 = arith.constant 1 : i32
      %add3A_118 = arith.addi %mul3A_116, %add3A_117 : i32
      %dma_wait3A_119 = arith.constant 0 : i32
      %dma_wait3A_120 = arith.constant 0 : i32
      %dma_wait3A_121 = tpu.memref_slice %arg9[%dma_wait3A_119, %dma_wait3A_120] : memref<128x128xf32, #tpu.memory_space<vmem>> -> memref<64x128xf32, #tpu.memory_space<vmem>>
      %dma_wait3A_122 = arith.constant 0 : i32
      %dma_wait3A_123 = tpu.memref_slice %arg6[%add3A_118, %dma_wait3A_122] : memref<200x128xi32, #tpu.memory_space<vmem>> -> memref<1x64xi32, #tpu.memory_space<vmem>>
      %dma_wait3A_124 = tpu.memref_squeeze %dma_wait3A_123 : memref<1x64xi32, #tpu.memory_space<vmem>> -> memref<64xi32, #tpu.memory_space<vmem>>
      %dma_wait3A_125 = arith.constant 0 : i32
      %dma_wait3A_126 = arith.constant 0 : i32
      %dma_wait3A_127 = tpu.memref_slice %arg3[%dma_wait3A_125, %dma_wait3A_126] : memref<100000x128xf32, #tpu.memory_space<hbm>> -> memref<100000x128xf32, #tpu.memory_space<hbm>>
      tpu.wait_indirect_dma semaphore(%arg14 : memref<!tpu.dma_semaphore, #tpu.memory_space<semaphore_mem>>) src(%dma_wait3A_127 : memref<100000x128xf32, #tpu.memory_space<hbm>>) dst(%dma_wait3A_121 : memref<64x128xf32, #tpu.memory_space<vmem>>)
      %dma_wait3A_128 = arith.constant 64 : i32
      %dma_wait3A_129 = arith.constant 0 : i32
      %dma_wait3A_130 = tpu.memref_slice %arg9[%dma_wait3A_128, %dma_wait3A_129] : memref<128x128xf32, #tpu.memory_space<vmem>> -> memref<64x128xf32, #tpu.memory_space<vmem>>
      %dma_wait3A_131 = arith.constant 64 : i32
      %dma_wait3A_132 = tpu.memref_slice %arg6[%add3A_118, %dma_wait3A_131] : memref<200x128xi32, #tpu.memory_space<vmem>> -> memref<1x64xi32, #tpu.memory_space<vmem>>
      %dma_wait3A_133 = tpu.memref_squeeze %dma_wait3A_132 : memref<1x64xi32, #tpu.memory_space<vmem>> -> memref<64xi32, #tpu.memory_space<vmem>>
      %dma_wait3A_134 = arith.constant 0 : i32
      %dma_wait3A_135 = arith.constant 0 : i32
      %dma_wait3A_136 = tpu.memref_slice %arg3[%dma_wait3A_134, %dma_wait3A_135] : memref<100000x128xf32, #tpu.memory_space<hbm>> -> memref<100000x128xf32, #tpu.memory_space<hbm>>
      tpu.wait_indirect_dma semaphore(%arg15 : memref<!tpu.dma_semaphore, #tpu.memory_space<semaphore_mem>>) src(%dma_wait3A_136 : memref<100000x128xf32, #tpu.memory_space<hbm>>) dst(%dma_wait3A_130 : memref<64x128xf32, #tpu.memory_space<vmem>>)
      %ge3A_137 = arith.constant 2 : i32
      %ge3A_138 = arith.cmpi sge, %add3A_118, %ge3A_137 : i32
      %convert_element_type3A_139 = arith.extui %ge3A_138 : i1 to i32
      %cond3A_140 = arith.constant 0 : i32
      %cond3A_141 = arith.cmpi ne, %convert_element_type3A_139, %cond3A_140 : i32
      scf.if %cond3A_141 {
        %sub3A = arith.constant 2 : i32
        %sub3A_304 = arith.subi %add3A_118, %sub3A : i32
        %add3A_305 = arith.addi %mul3A_2, %sub3A_304 : i32
        %mul3A_306 = arith.constant 128 : i32
        %mul3A_307 = arith.muli %add3A_305, %mul3A_306 : i32
        %dma_wait3A_308 = arith.constant 0 : i32
        %dma_wait3A_309 = tpu.memref_slice %arg5[%mul3A_307, %dma_wait3A_308] : memref<819200x128xf32, #tpu.memory_space<hbm>> -> memref<128x128xf32, #tpu.memory_space<hbm>>
        %dma_wait3A_310 = arith.constant 0 : i32
        %dma_wait3A_311 = tpu.memref_slice %arg5[%mul3A_307, %dma_wait3A_310] : memref<819200x128xf32, #tpu.memory_space<hbm>> -> memref<128x128xf32, #tpu.memory_space<hbm>>
        tpu.wait_dma2 semaphore(%arg23 : memref<!tpu.dma_semaphore, #tpu.memory_space<semaphore_mem>>) src(%arg11 : memref<128x128xf32, #tpu.memory_space<vmem>>) dst(%dma_wait3A_311 : memref<128x128xf32, #tpu.memory_space<hbm>>)
      } else {
      }
      %add3A_142 = arith.constant 2 : i32
      %add3A_143 = arith.addi %add3A_118, %add3A_142 : i32
      %lt3A_144 = arith.constant 200 : i32
      %lt3A_145 = arith.cmpi slt, %add3A_143, %lt3A_144 : i32
      %convert_element_type3A_146 = arith.extui %lt3A_145 : i1 to i32
      %cond3A_147 = arith.constant 0 : i32
      %cond3A_148 = arith.cmpi ne, %convert_element_type3A_146, %cond3A_147 : i32
      scf.if %cond3A_148 {
        %add3A_304 = arith.constant 2 : i32
        %add3A_305 = arith.addi %add3A_118, %add3A_304 : i32
        %dma_start3A_306 = arith.constant 0 : i32
        %dma_start3A_307 = arith.constant 0 : i32
        %dma_start3A_308 = tpu.memref_slice %arg11[%dma_start3A_306, %dma_start3A_307] : memref<128x128xf32, #tpu.memory_space<vmem>> -> memref<64x128xf32, #tpu.memory_space<vmem>>
        %dma_start3A_309 = arith.constant 0 : i32
        %dma_start3A_310 = tpu.memref_slice %arg6[%add3A_305, %dma_start3A_309] : memref<200x128xi32, #tpu.memory_space<vmem>> -> memref<1x64xi32, #tpu.memory_space<vmem>>
        %dma_start3A_311 = tpu.memref_squeeze %dma_start3A_310 : memref<1x64xi32, #tpu.memory_space<vmem>> -> memref<64xi32, #tpu.memory_space<vmem>>
        %dma_start3A_312 = arith.constant 0 : i32
        %dma_start3A_313 = arith.constant 0 : i32
        %dma_start3A_314 = tpu.memref_slice %arg3[%dma_start3A_312, %dma_start3A_313] : memref<100000x128xf32, #tpu.memory_space<hbm>> -> memref<100000x128xf32, #tpu.memory_space<hbm>>
        tpu.enqueue_indirect_dma source(%dma_start3A_314 : memref<100000x128xf32, #tpu.memory_space<hbm>>) target(%dma_start3A_308 : memref<64x128xf32, #tpu.memory_space<vmem>>) offsets(%dma_start3A_311 : memref<64xi32, #tpu.memory_space<vmem>>) semaphore(%arg18 : memref<!tpu.dma_semaphore, #tpu.memory_space<semaphore_mem>>)
        %dma_start3A_315 = arith.constant 64 : i32
        %dma_start3A_316 = arith.constant 0 : i32
        %dma_start3A_317 = tpu.memref_slice %arg11[%dma_start3A_315, %dma_start3A_316] : memref<128x128xf32, #tpu.memory_space<vmem>> -> memref<64x128xf32, #tpu.memory_space<vmem>>
        %dma_start3A_318 = arith.constant 64 : i32
        %dma_start3A_319 = tpu.memref_slice %arg6[%add3A_305, %dma_start3A_318] : memref<200x128xi32, #tpu.memory_space<vmem>> -> memref<1x64xi32, #tpu.memory_space<vmem>>
        %dma_start3A_320 = tpu.memref_squeeze %dma_start3A_319 : memref<1x64xi32, #tpu.memory_space<vmem>> -> memref<64xi32, #tpu.memory_space<vmem>>
        %dma_start3A_321 = arith.constant 0 : i32
        %dma_start3A_322 = arith.constant 0 : i32
        %dma_start3A_323 = tpu.memref_slice %arg3[%dma_start3A_321, %dma_start3A_322] : memref<100000x128xf32, #tpu.memory_space<hbm>> -> memref<100000x128xf32, #tpu.memory_space<hbm>>
        tpu.enqueue_indirect_dma source(%dma_start3A_323 : memref<100000x128xf32, #tpu.memory_space<hbm>>) target(%dma_start3A_317 : memref<64x128xf32, #tpu.memory_space<vmem>>) offsets(%dma_start3A_320 : memref<64xi32, #tpu.memory_space<vmem>>) semaphore(%arg19 : memref<!tpu.dma_semaphore, #tpu.memory_space<semaphore_mem>>)
      } else {
      }
      %add3A_149 = arith.addi %mul3A_2, %add3A_118 : i32
      %mul3A_150 = arith.constant 128 : i32
      %mul3A_151 = arith.muli %add3A_149, %mul3A_150 : i32
      %jit3A_152 = arith.constant 200 : i32
      %eq3A_153 = arith.constant 0 : i32
      %eq3A_154 = arith.cmpi eq, %jit3A_152, %eq3A_153 : i32
      %jit3A_155 = arith.constant 1 : i32
      %select_n3A_156 = arith.select %eq3A_154, %jit3A_155, %jit3A_152 : i32
      %rem3A_157 = arith.remsi %mul3A_151, %select_n3A_156 : i32
      %ne3A_158 = arith.constant 0 : i32
      %ne3A_159 = arith.cmpi ne, %rem3A_157, %ne3A_158 : i32
      %lt3A_160 = arith.constant 0 : i32
      %lt3A_161 = arith.cmpi slt, %rem3A_157, %lt3A_160 : i32
      %lt3A_162 = arith.constant 0 : i32
      %lt3A_163 = arith.cmpi slt, %select_n3A_156, %lt3A_162 : i32
      %ne3A_164 = arith.xori %lt3A_161, %lt3A_163 : i1
      %and3A_165 = arith.andi %ne3A_164, %ne3A_159 : i1
      %add3A_166 = arith.addi %rem3A_157, %select_n3A_156 : i32
      %select_n3A_167 = arith.select %and3A_165, %add3A_166, %rem3A_157 : i32
      %parallel_loop3A_168 = arith.constant 0 : i32
      %parallel_loop3A_169 = arith.constant 128 : i32
      %parallel_loop3A_170 = arith.constant 1 : i32
      scf.for %parallel_loop3A_304 = %parallel_loop3A_168 to %parallel_loop3A_169 step %parallel_loop3A_170  : i32 {
        %parallel_loop3A_305 = arith.addi %select_n3A_167, %parallel_loop3A_304 : i32
        %parallel_loop3A_306 = arith.constant 200 : i32
        %parallel_loop3A_307 = arith.cmpi sge, %parallel_loop3A_305, %parallel_loop3A_306 : i32
        %parallel_loop3A_308 = arith.constant 200 : i32
        %parallel_loop3A_309 = arith.constant 0 : i32
        %parallel_loop3A_310 = arith.select %parallel_loop3A_307, %parallel_loop3A_308, %parallel_loop3A_309 : i32
        %parallel_loop3A_311 = arith.subi %parallel_loop3A_305, %parallel_loop3A_310 : i32
        %parallel_loop3A_312 = arith.index_cast %parallel_loop3A_304 : i32 to index
        %parallel_loop3A_313 = arith.constant 0 : index
        %parallel_loop3A_314 = tpu.vector_load %arg9[%parallel_loop3A_312, %parallel_loop3A_313] {strides = array<i32>} : memref<128x128xf32, #tpu.memory_space<vmem>>, vector<1x16xf32>,
        %parallel_loop3A_315 = vector.shape_cast %parallel_loop3A_314 : vector<1x16xf32> to vector<16xf32>
        %parallel_loop3A_316 = arith.index_cast %parallel_loop3A_311 : i32 to index
        %parallel_loop3A_317 = arith.constant 0 : index
        %parallel_loop3A_318 = tpu.vector_load %arg7[%parallel_loop3A_316, %parallel_loop3A_317] {strides = array<i32>} : memref<200x128xf32, #tpu.memory_space<vmem>>, vector<1x16xf32>,
        %parallel_loop3A_319 = vector.shape_cast %parallel_loop3A_318 : vector<1x16xf32> to vector<16xf32>
        %parallel_loop3A_320 = arith.addf %parallel_loop3A_315, %parallel_loop3A_319 : vector<16xf32>
        %parallel_loop3A_321 = arith.index_cast %parallel_loop3A_304 : i32 to index
        %parallel_loop3A_322 = arith.constant 16 : index
        %parallel_loop3A_323 = tpu.vector_load %arg9[%parallel_loop3A_321, %parallel_loop3A_322] {strides = array<i32>} : memref<128x128xf32, #tpu.memory_space<vmem>>, vector<1x16xf32>,
        %parallel_loop3A_324 = vector.shape_cast %parallel_loop3A_323 : vector<1x16xf32> to vector<16xf32>
        %parallel_loop3A_325 = arith.index_cast %parallel_loop3A_311 : i32 to index
        %parallel_loop3A_326 = arith.constant 16 : index
        %parallel_loop3A_327 = tpu.vector_load %arg7[%parallel_loop3A_325, %parallel_loop3A_326] {strides = array<i32>} : memref<200x128xf32, #tpu.memory_space<vmem>>, vector<1x16xf32>,
        %parallel_loop3A_328 = vector.shape_cast %parallel_loop3A_327 : vector<1x16xf32> to vector<16xf32>
        %parallel_loop3A_329 = arith.addf %parallel_loop3A_324, %parallel_loop3A_328 : vector<16xf32>
        %parallel_loop3A_330 = arith.index_cast %parallel_loop3A_304 : i32 to index
        %parallel_loop3A_331 = arith.constant 32 : index
        %parallel_loop3A_332 = tpu.vector_load %arg9[%parallel_loop3A_330, %parallel_loop3A_331] {strides = array<i32>} : memref<128x128xf32, #tpu.memory_space<vmem>>, vector<1x16xf32>,
        %parallel_loop3A_333 = vector.shape_cast %parallel_loop3A_332 : vector<1x16xf32> to vector<16xf32>
        %parallel_loop3A_334 = arith.index_cast %parallel_loop3A_311 : i32 to index
        %parallel_loop3A_335 = arith.constant 32 : index
        %parallel_loop3A_336 = tpu.vector_load %arg7[%parallel_loop3A_334, %parallel_loop3A_335] {strides = array<i32>} : memref<200x128xf32, #tpu.memory_space<vmem>>, vector<1x16xf32>,
        %parallel_loop3A_337 = vector.shape_cast %parallel_loop3A_336 : vector<1x16xf32> to vector<16xf32>
        %parallel_loop3A_338 = arith.addf %parallel_loop3A_333, %parallel_loop3A_337 : vector<16xf32>
        %parallel_loop3A_339 = arith.index_cast %parallel_loop3A_304 : i32 to index
        %parallel_loop3A_340 = arith.constant 48 : index
        %parallel_loop3A_341 = tpu.vector_load %arg9[%parallel_loop3A_339, %parallel_loop3A_340] {strides = array<i32>} : memref<128x128xf32, #tpu.memory_space<vmem>>, vector<1x16xf32>,
        %parallel_loop3A_342 = vector.shape_cast %parallel_loop3A_341 : vector<1x16xf32> to vector<16xf32>
        %parallel_loop3A_343 = arith.index_cast %parallel_loop3A_311 : i32 to index
        %parallel_loop3A_344 = arith.constant 48 : index
        %parallel_loop3A_345 = tpu.vector_load %arg7[%parallel_loop3A_343, %parallel_loop3A_344] {strides = array<i32>} : memref<200x128xf32, #tpu.memory_space<vmem>>, vector<1x16xf32>,
        %parallel_loop3A_346 = vector.shape_cast %parallel_loop3A_345 : vector<1x16xf32> to vector<16xf32>
        %parallel_loop3A_347 = arith.addf %parallel_loop3A_342, %parallel_loop3A_346 : vector<16xf32>
        %parallel_loop3A_348 = arith.index_cast %parallel_loop3A_304 : i32 to index
        %parallel_loop3A_349 = arith.constant 64 : index
        %parallel_loop3A_350 = tpu.vector_load %arg9[%parallel_loop3A_348, %parallel_loop3A_349] {strides = array<i32>} : memref<128x128xf32, #tpu.memory_space<vmem>>, vector<1x16xf32>,
        %parallel_loop3A_351 = vector.shape_cast %parallel_loop3A_350 : vector<1x16xf32> to vector<16xf32>
        %parallel_loop3A_352 = arith.index_cast %parallel_loop3A_311 : i32 to index
        %parallel_loop3A_353 = arith.constant 64 : index
        %parallel_loop3A_354 = tpu.vector_load %arg7[%parallel_loop3A_352, %parallel_loop3A_353] {strides = array<i32>} : memref<200x128xf32, #tpu.memory_space<vmem>>, vector<1x16xf32>,
        %parallel_loop3A_355 = vector.shape_cast %parallel_loop3A_354 : vector<1x16xf32> to vector<16xf32>
        %parallel_loop3A_356 = arith.addf %parallel_loop3A_351, %parallel_loop3A_355 : vector<16xf32>
        %parallel_loop3A_357 = arith.index_cast %parallel_loop3A_304 : i32 to index
        %parallel_loop3A_358 = arith.constant 80 : index
        %parallel_loop3A_359 = tpu.vector_load %arg9[%parallel_loop3A_357, %parallel_loop3A_358] {strides = array<i32>} : memref<128x128xf32, #tpu.memory_space<vmem>>, vector<1x16xf32>,
        %parallel_loop3A_360 = vector.shape_cast %parallel_loop3A_359 : vector<1x16xf32> to vector<16xf32>
        %parallel_loop3A_361 = arith.index_cast %parallel_loop3A_311 : i32 to index
        %parallel_loop3A_362 = arith.constant 80 : index
        %parallel_loop3A_363 = tpu.vector_load %arg7[%parallel_loop3A_361, %parallel_loop3A_362] {strides = array<i32>} : memref<200x128xf32, #tpu.memory_space<vmem>>, vector<1x16xf32>,
        %parallel_loop3A_364 = vector.shape_cast %parallel_loop3A_363 : vector<1x16xf32> to vector<16xf32>
        %parallel_loop3A_365 = arith.addf %parallel_loop3A_360, %parallel_loop3A_364 : vector<16xf32>
        %parallel_loop3A_366 = arith.index_cast %parallel_loop3A_304 : i32 to index
        %parallel_loop3A_367 = arith.constant 96 : index
        %parallel_loop3A_368 = tpu.vector_load %arg9[%parallel_loop3A_366, %parallel_loop3A_367] {strides = array<i32>} : memref<128x128xf32, #tpu.memory_space<vmem>>, vector<1x16xf32>,
        %parallel_loop3A_369 = vector.shape_cast %parallel_loop3A_368 : vector<1x16xf32> to vector<16xf32>
        %parallel_loop3A_370 = arith.index_cast %parallel_loop3A_311 : i32 to index
        %parallel_loop3A_371 = arith.constant 96 : index
        %parallel_loop3A_372 = tpu.vector_load %arg7[%parallel_loop3A_370, %parallel_loop3A_371] {strides = array<i32>} : memref<200x128xf32, #tpu.memory_space<vmem>>, vector<1x16xf32>,
        %parallel_loop3A_373 = vector.shape_cast %parallel_loop3A_372 : vector<1x16xf32> to vector<16xf32>
        %parallel_loop3A_374 = arith.addf %parallel_loop3A_369, %parallel_loop3A_373 : vector<16xf32>
        %parallel_loop3A_375 = arith.index_cast %parallel_loop3A_304 : i32 to index
        %parallel_loop3A_376 = arith.constant 112 : index
        %parallel_loop3A_377 = tpu.vector_load %arg9[%parallel_loop3A_375, %parallel_loop3A_376] {strides = array<i32>} : memref<128x128xf32, #tpu.memory_space<vmem>>, vector<1x16xf32>,
        %parallel_loop3A_378 = vector.shape_cast %parallel_loop3A_377 : vector<1x16xf32> to vector<16xf32>
        %parallel_loop3A_379 = arith.index_cast %parallel_loop3A_311 : i32 to index
        %parallel_loop3A_380 = arith.constant 112 : index
        %parallel_loop3A_381 = tpu.vector_load %arg7[%parallel_loop3A_379, %parallel_loop3A_380] {strides = array<i32>} : memref<200x128xf32, #tpu.memory_space<vmem>>, vector<1x16xf32>,
        %parallel_loop3A_382 = vector.shape_cast %parallel_loop3A_381 : vector<1x16xf32> to vector<16xf32>
        %parallel_loop3A_383 = arith.addf %parallel_loop3A_378, %parallel_loop3A_382 : vector<16xf32>
        %parallel_loop3A_384 = arith.index_cast %parallel_loop3A_304 : i32 to index
        %parallel_loop3A_385 = arith.constant 0 : index
        %parallel_loop3A_386 = tpu.vector_load %arg9[%parallel_loop3A_384, %parallel_loop3A_385] {strides = array<i32>} : memref<128x128xf32, #tpu.memory_space<vmem>>, vector<1x16xf32>,
        %parallel_loop3A_387 = vector.shape_cast %parallel_loop3A_386 : vector<1x16xf32> to vector<16xf32>
        %parallel_loop3A_388 = vector.shape_cast %parallel_loop3A_320 : vector<16xf32> to vector<1x16xf32>
        tpu.vector_store %arg9[%parallel_loop3A_384, %parallel_loop3A_385], %parallel_loop3A_388 {strides = array<i32>} : memref<128x128xf32, #tpu.memory_space<vmem>>, vector<1x16xf32>,
        %parallel_loop3A_389 = arith.index_cast %parallel_loop3A_304 : i32 to index
        %parallel_loop3A_390 = arith.constant 16 : index
        %parallel_loop3A_391 = tpu.vector_load %arg9[%parallel_loop3A_389, %parallel_loop3A_390] {strides = array<i32>} : memref<128x128xf32, #tpu.memory_space<vmem>>, vector<1x16xf32>,
        %parallel_loop3A_392 = vector.shape_cast %parallel_loop3A_391 : vector<1x16xf32> to vector<16xf32>
        %parallel_loop3A_393 = vector.shape_cast %parallel_loop3A_329 : vector<16xf32> to vector<1x16xf32>
        tpu.vector_store %arg9[%parallel_loop3A_389, %parallel_loop3A_390], %parallel_loop3A_393 {strides = array<i32>} : memref<128x128xf32, #tpu.memory_space<vmem>>, vector<1x16xf32>,
        %parallel_loop3A_394 = arith.index_cast %parallel_loop3A_304 : i32 to index
        %parallel_loop3A_395 = arith.constant 32 : index
        %parallel_loop3A_396 = tpu.vector_load %arg9[%parallel_loop3A_394, %parallel_loop3A_395] {strides = array<i32>} : memref<128x128xf32, #tpu.memory_space<vmem>>, vector<1x16xf32>,
        %parallel_loop3A_397 = vector.shape_cast %parallel_loop3A_396 : vector<1x16xf32> to vector<16xf32>
        %parallel_loop3A_398 = vector.shape_cast %parallel_loop3A_338 : vector<16xf32> to vector<1x16xf32>
        tpu.vector_store %arg9[%parallel_loop3A_394, %parallel_loop3A_395], %parallel_loop3A_398 {strides = array<i32>} : memref<128x128xf32, #tpu.memory_space<vmem>>, vector<1x16xf32>,
        %parallel_loop3A_399 = arith.index_cast %parallel_loop3A_304 : i32 to index
        %parallel_loop3A_400 = arith.constant 48 : index
        %parallel_loop3A_401 = tpu.vector_load %arg9[%parallel_loop3A_399, %parallel_loop3A_400] {strides = array<i32>} : memref<128x128xf32, #tpu.memory_space<vmem>>, vector<1x16xf32>,
        %parallel_loop3A_402 = vector.shape_cast %parallel_loop3A_401 : vector<1x16xf32> to vector<16xf32>
        %parallel_loop3A_403 = vector.shape_cast %parallel_loop3A_347 : vector<16xf32> to vector<1x16xf32>
        tpu.vector_store %arg9[%parallel_loop3A_399, %parallel_loop3A_400], %parallel_loop3A_403 {strides = array<i32>} : memref<128x128xf32, #tpu.memory_space<vmem>>, vector<1x16xf32>,
        %parallel_loop3A_404 = arith.index_cast %parallel_loop3A_304 : i32 to index
        %parallel_loop3A_405 = arith.constant 64 : index
        %parallel_loop3A_406 = tpu.vector_load %arg9[%parallel_loop3A_404, %parallel_loop3A_405] {strides = array<i32>} : memref<128x128xf32, #tpu.memory_space<vmem>>, vector<1x16xf32>,
        %parallel_loop3A_407 = vector.shape_cast %parallel_loop3A_406 : vector<1x16xf32> to vector<16xf32>
        %parallel_loop3A_408 = vector.shape_cast %parallel_loop3A_356 : vector<16xf32> to vector<1x16xf32>
        tpu.vector_store %arg9[%parallel_loop3A_404, %parallel_loop3A_405], %parallel_loop3A_408 {strides = array<i32>} : memref<128x128xf32, #tpu.memory_space<vmem>>, vector<1x16xf32>,
        %parallel_loop3A_409 = arith.index_cast %parallel_loop3A_304 : i32 to index
        %parallel_loop3A_410 = arith.constant 80 : index
        %parallel_loop3A_411 = tpu.vector_load %arg9[%parallel_loop3A_409, %parallel_loop3A_410] {strides = array<i32>} : memref<128x128xf32, #tpu.memory_space<vmem>>, vector<1x16xf32>,
        %parallel_loop3A_412 = vector.shape_cast %parallel_loop3A_411 : vector<1x16xf32> to vector<16xf32>
        %parallel_loop3A_413 = vector.shape_cast %parallel_loop3A_365 : vector<16xf32> to vector<1x16xf32>
        tpu.vector_store %arg9[%parallel_loop3A_409, %parallel_loop3A_410], %parallel_loop3A_413 {strides = array<i32>} : memref<128x128xf32, #tpu.memory_space<vmem>>, vector<1x16xf32>,
        %parallel_loop3A_414 = arith.index_cast %parallel_loop3A_304 : i32 to index
        %parallel_loop3A_415 = arith.constant 96 : index
        %parallel_loop3A_416 = tpu.vector_load %arg9[%parallel_loop3A_414, %parallel_loop3A_415] {strides = array<i32>} : memref<128x128xf32, #tpu.memory_space<vmem>>, vector<1x16xf32>,
        %parallel_loop3A_417 = vector.shape_cast %parallel_loop3A_416 : vector<1x16xf32> to vector<16xf32>
        %parallel_loop3A_418 = vector.shape_cast %parallel_loop3A_374 : vector<16xf32> to vector<1x16xf32>
        tpu.vector_store %arg9[%parallel_loop3A_414, %parallel_loop3A_415], %parallel_loop3A_418 {strides = array<i32>} : memref<128x128xf32, #tpu.memory_space<vmem>>, vector<1x16xf32>,
        %parallel_loop3A_419 = arith.index_cast %parallel_loop3A_304 : i32 to index
        %parallel_loop3A_420 = arith.constant 112 : index
        %parallel_loop3A_421 = tpu.vector_load %arg9[%parallel_loop3A_419, %parallel_loop3A_420] {strides = array<i32>} : memref<128x128xf32, #tpu.memory_space<vmem>>, vector<1x16xf32>,
        %parallel_loop3A_422 = vector.shape_cast %parallel_loop3A_421 : vector<1x16xf32> to vector<16xf32>
        %parallel_loop3A_423 = vector.shape_cast %parallel_loop3A_383 : vector<16xf32> to vector<1x16xf32>
        tpu.vector_store %arg9[%parallel_loop3A_419, %parallel_loop3A_420], %parallel_loop3A_423 {strides = array<i32>} : memref<128x128xf32, #tpu.memory_space<vmem>>, vector<1x16xf32>,
      } {sc.loop_unroll_factor = 4 : i64, sc.parallel_access}
      %add3A_171 = arith.addi %mul3A_2, %add3A_118 : i32
      %mul3A_172 = arith.constant 128 : i32
      %mul3A_173 = arith.muli %add3A_171, %mul3A_172 : i32
      %dma_start3A_174 = arith.constant 0 : i32
      %dma_start3A_175 = tpu.memref_slice %arg5[%mul3A_173, %dma_start3A_174] : memref<819200x128xf32, #tpu.memory_space<hbm>> -> memref<128x128xf32, #tpu.memory_space<hbm>>
      %dma_start3A_176 = arith.constant 0 : i32
      %dma_start3A_177 = tpu.memref_slice %arg5[%mul3A_173, %dma_start3A_176] : memref<819200x128xf32, #tpu.memory_space<hbm>> -> memref<128x128xf32, #tpu.memory_space<hbm>>
      tpu.enqueue_dma source(%arg9 : memref<128x128xf32, #tpu.memory_space<vmem>>) target(%dma_start3A_177 : memref<128x128xf32, #tpu.memory_space<hbm>>) target_semaphore(%arg21 : memref<!tpu.dma_semaphore, #tpu.memory_space<semaphore_mem>>)
      %mul3A_178 = arith.constant 4 : i32
      %mul3A_179 = arith.muli %scan3A_62, %mul3A_178 : i32
      %add3A_180 = arith.constant 2 : i32
      %add3A_181 = arith.addi %mul3A_179, %add3A_180 : i32
      %dma_wait3A_182 = arith.constant 0 : i32
      %dma_wait3A_183 = arith.constant 0 : i32
      %dma_wait3A_184 = tpu.memref_slice %arg10[%dma_wait3A_182, %dma_wait3A_183] : memref<128x128xf32, #tpu.memory_space<vmem>> -> memref<64x128xf32, #tpu.memory_space<vmem>>
      %dma_wait3A_185 = arith.constant 0 : i32
      %dma_wait3A_186 = tpu.memref_slice %arg6[%add3A_181, %dma_wait3A_185] : memref<200x128xi32, #tpu.memory_space<vmem>> -> memref<1x64xi32, #tpu.memory_space<vmem>>
      %dma_wait3A_187 = tpu.memref_squeeze %dma_wait3A_186 : memref<1x64xi32, #tpu.memory_space<vmem>> -> memref<64xi32, #tpu.memory_space<vmem>>
      %dma_wait3A_188 = arith.constant 0 : i32
      %dma_wait3A_189 = arith.constant 0 : i32
      %dma_wait3A_190 = tpu.memref_slice %arg3[%dma_wait3A_188, %dma_wait3A_189] : memref<100000x128xf32, #tpu.memory_space<hbm>> -> memref<100000x128xf32, #tpu.memory_space<hbm>>
      tpu.wait_indirect_dma semaphore(%arg16 : memref<!tpu.dma_semaphore, #tpu.memory_space<semaphore_mem>>) src(%dma_wait3A_190 : memref<100000x128xf32, #tpu.memory_space<hbm>>) dst(%dma_wait3A_184 : memref<64x128xf32, #tpu.memory_space<vmem>>)
      %dma_wait3A_191 = arith.constant 64 : i32
      %dma_wait3A_192 = arith.constant 0 : i32
      %dma_wait3A_193 = tpu.memref_slice %arg10[%dma_wait3A_191, %dma_wait3A_192] : memref<128x128xf32, #tpu.memory_space<vmem>> -> memref<64x128xf32, #tpu.memory_space<vmem>>
      %dma_wait3A_194 = arith.constant 64 : i32
      %dma_wait3A_195 = tpu.memref_slice %arg6[%add3A_181, %dma_wait3A_194] : memref<200x128xi32, #tpu.memory_space<vmem>> -> memref<1x64xi32, #tpu.memory_space<vmem>>
      %dma_wait3A_196 = tpu.memref_squeeze %dma_wait3A_195 : memref<1x64xi32, #tpu.memory_space<vmem>> -> memref<64xi32, #tpu.memory_space<vmem>>
      %dma_wait3A_197 = arith.constant 0 : i32
      %dma_wait3A_198 = arith.constant 0 : i32
      %dma_wait3A_199 = tpu.memref_slice %arg3[%dma_wait3A_197, %dma_wait3A_198] : memref<100000x128xf32, #tpu.memory_space<hbm>> -> memref<100000x128xf32, #tpu.memory_space<hbm>>
      tpu.wait_indirect_dma semaphore(%arg17 : memref<!tpu.dma_semaphore, #tpu.memory_space<semaphore_mem>>) src(%dma_wait3A_199 : memref<100000x128xf32, #tpu.memory_space<hbm>>) dst(%dma_wait3A_193 : memref<64x128xf32, #tpu.memory_space<vmem>>)
      %ge3A_200 = arith.constant 2 : i32
      %ge3A_201 = arith.cmpi sge, %add3A_181, %ge3A_200 : i32
      %convert_element_type3A_202 = arith.extui %ge3A_201 : i1 to i32
      %cond3A_203 = arith.constant 0 : i32
      %cond3A_204 = arith.cmpi ne, %convert_element_type3A_202, %cond3A_203 : i32
      scf.if %cond3A_204 {
        %sub3A = arith.constant 2 : i32
        %sub3A_304 = arith.subi %add3A_181, %sub3A : i32
        %add3A_305 = arith.addi %mul3A_2, %sub3A_304 : i32
        %mul3A_306 = arith.constant 128 : i32
        %mul3A_307 = arith.muli %add3A_305, %mul3A_306 : i32
        %dma_wait3A_308 = arith.constant 0 : i32
        %dma_wait3A_309 = tpu.memref_slice %arg5[%mul3A_307, %dma_wait3A_308] : memref<819200x128xf32, #tpu.memory_space<hbm>> -> memref<128x128xf32, #tpu.memory_space<hbm>>
        %dma_wait3A_310 = arith.constant 0 : i32
        %dma_wait3A_311 = tpu.memref_slice %arg5[%mul3A_307, %dma_wait3A_310] : memref<819200x128xf32, #tpu.memory_space<hbm>> -> memref<128x128xf32, #tpu.memory_space<hbm>>
        tpu.wait_dma2 semaphore(%arg20 : memref<!tpu.dma_semaphore, #tpu.memory_space<semaphore_mem>>) src(%arg8 : memref<128x128xf32, #tpu.memory_space<vmem>>) dst(%dma_wait3A_311 : memref<128x128xf32, #tpu.memory_space<hbm>>)
      } else {
      }
      %add3A_205 = arith.constant 2 : i32
      %add3A_206 = arith.addi %add3A_181, %add3A_205 : i32
      %lt3A_207 = arith.constant 200 : i32
      %lt3A_208 = arith.cmpi slt, %add3A_206, %lt3A_207 : i32
      %convert_element_type3A_209 = arith.extui %lt3A_208 : i1 to i32
      %cond3A_210 = arith.constant 0 : i32
      %cond3A_211 = arith.cmpi ne, %convert_element_type3A_209, %cond3A_210 : i32
      scf.if %cond3A_211 {
        %add3A_304 = arith.constant 2 : i32
        %add3A_305 = arith.addi %add3A_181, %add3A_304 : i32
        %dma_start3A_306 = arith.constant 0 : i32
        %dma_start3A_307 = arith.constant 0 : i32
        %dma_start3A_308 = tpu.memref_slice %arg8[%dma_start3A_306, %dma_start3A_307] : memref<128x128xf32, #tpu.memory_space<vmem>> -> memref<64x128xf32, #tpu.memory_space<vmem>>
        %dma_start3A_309 = arith.constant 0 : i32
        %dma_start3A_310 = tpu.memref_slice %arg6[%add3A_305, %dma_start3A_309] : memref<200x128xi32, #tpu.memory_space<vmem>> -> memref<1x64xi32, #tpu.memory_space<vmem>>
        %dma_start3A_311 = tpu.memref_squeeze %dma_start3A_310 : memref<1x64xi32, #tpu.memory_space<vmem>> -> memref<64xi32, #tpu.memory_space<vmem>>
        %dma_start3A_312 = arith.constant 0 : i32
        %dma_start3A_313 = arith.constant 0 : i32
        %dma_start3A_314 = tpu.memref_slice %arg3[%dma_start3A_312, %dma_start3A_313] : memref<100000x128xf32, #tpu.memory_space<hbm>> -> memref<100000x128xf32, #tpu.memory_space<hbm>>
        tpu.enqueue_indirect_dma source(%dma_start3A_314 : memref<100000x128xf32, #tpu.memory_space<hbm>>) target(%dma_start3A_308 : memref<64x128xf32, #tpu.memory_space<vmem>>) offsets(%dma_start3A_311 : memref<64xi32, #tpu.memory_space<vmem>>) semaphore(%arg12 : memref<!tpu.dma_semaphore, #tpu.memory_space<semaphore_mem>>)
        %dma_start3A_315 = arith.constant 64 : i32
        %dma_start3A_316 = arith.constant 0 : i32
        %dma_start3A_317 = tpu.memref_slice %arg8[%dma_start3A_315, %dma_start3A_316] : memref<128x128xf32, #tpu.memory_space<vmem>> -> memref<64x128xf32, #tpu.memory_space<vmem>>
        %dma_start3A_318 = arith.constant 64 : i32
        %dma_start3A_319 = tpu.memref_slice %arg6[%add3A_305, %dma_start3A_318] : memref<200x128xi32, #tpu.memory_space<vmem>> -> memref<1x64xi32, #tpu.memory_space<vmem>>
        %dma_start3A_320 = tpu.memref_squeeze %dma_start3A_319 : memref<1x64xi32, #tpu.memory_space<vmem>> -> memref<64xi32, #tpu.memory_space<vmem>>
        %dma_start3A_321 = arith.constant 0 : i32
        %dma_start3A_322 = arith.constant 0 : i32
        %dma_start3A_323 = tpu.memref_slice %arg3[%dma_start3A_321, %dma_start3A_322] : memref<100000x128xf32, #tpu.memory_space<hbm>> -> memref<100000x128xf32, #tpu.memory_space<hbm>>
        tpu.enqueue_indirect_dma source(%dma_start3A_323 : memref<100000x128xf32, #tpu.memory_space<hbm>>) target(%dma_start3A_317 : memref<64x128xf32, #tpu.memory_space<vmem>>) offsets(%dma_start3A_320 : memref<64xi32, #tpu.memory_space<vmem>>) semaphore(%arg13 : memref<!tpu.dma_semaphore, #tpu.memory_space<semaphore_mem>>)
      } else {
      }
      %add3A_212 = arith.addi %mul3A_2, %add3A_181 : i32
      %mul3A_213 = arith.constant 128 : i32
      %mul3A_214 = arith.muli %add3A_212, %mul3A_213 : i32
      %jit3A_215 = arith.constant 200 : i32
      %eq3A_216 = arith.constant 0 : i32
      %eq3A_217 = arith.cmpi eq, %jit3A_215, %eq3A_216 : i32
      %jit3A_218 = arith.constant 1 : i32
      %select_n3A_219 = arith.select %eq3A_217, %jit3A_218, %jit3A_215 : i32
      %rem3A_220 = arith.remsi %mul3A_214, %select_n3A_219 : i32
      %ne3A_221 = arith.constant 0 : i32
      %ne3A_222 = arith.cmpi ne, %rem3A_220, %ne3A_221 : i32
      %lt3A_223 = arith.constant 0 : i32
      %lt3A_224 = arith.cmpi slt, %rem3A_220, %lt3A_223 : i32
      %lt3A_225 = arith.constant 0 : i32
      %lt3A_226 = arith.cmpi slt, %select_n3A_219, %lt3A_225 : i32
      %ne3A_227 = arith.xori %lt3A_224, %lt3A_226 : i1
      %and3A_228 = arith.andi %ne3A_227, %ne3A_222 : i1
      %add3A_229 = arith.addi %rem3A_220, %select_n3A_219 : i32
      %select_n3A_230 = arith.select %and3A_228, %add3A_229, %rem3A_220 : i32
      %parallel_loop3A_231 = arith.constant 0 : i32
      %parallel_loop3A_232 = arith.constant 128 : i32
      %parallel_loop3A_233 = arith.constant 1 : i32
      scf.for %parallel_loop3A_304 = %parallel_loop3A_231 to %parallel_loop3A_232 step %parallel_loop3A_233  : i32 {
        %parallel_loop3A_305 = arith.addi %select_n3A_230, %parallel_loop3A_304 : i32
        %parallel_loop3A_306 = arith.constant 200 : i32
        %parallel_loop3A_307 = arith.cmpi sge, %parallel_loop3A_305, %parallel_loop3A_306 : i32
        %parallel_loop3A_308 = arith.constant 200 : i32
        %parallel_loop3A_309 = arith.constant 0 : i32
        %parallel_loop3A_310 = arith.select %parallel_loop3A_307, %parallel_loop3A_308, %parallel_loop3A_309 : i32
        %parallel_loop3A_311 = arith.subi %parallel_loop3A_305, %parallel_loop3A_310 : i32
        %parallel_loop3A_312 = arith.index_cast %parallel_loop3A_304 : i32 to index
        %parallel_loop3A_313 = arith.constant 0 : index
        %parallel_loop3A_314 = tpu.vector_load %arg10[%parallel_loop3A_312, %parallel_loop3A_313] {strides = array<i32>} : memref<128x128xf32, #tpu.memory_space<vmem>>, vector<1x16xf32>,
        %parallel_loop3A_315 = vector.shape_cast %parallel_loop3A_314 : vector<1x16xf32> to vector<16xf32>
        %parallel_loop3A_316 = arith.index_cast %parallel_loop3A_311 : i32 to index
        %parallel_loop3A_317 = arith.constant 0 : index
        %parallel_loop3A_318 = tpu.vector_load %arg7[%parallel_loop3A_316, %parallel_loop3A_317] {strides = array<i32>} : memref<200x128xf32, #tpu.memory_space<vmem>>, vector<1x16xf32>,
        %parallel_loop3A_319 = vector.shape_cast %parallel_loop3A_318 : vector<1x16xf32> to vector<16xf32>
        %parallel_loop3A_320 = arith.addf %parallel_loop3A_315, %parallel_loop3A_319 : vector<16xf32>
        %parallel_loop3A_321 = arith.index_cast %parallel_loop3A_304 : i32 to index
        %parallel_loop3A_322 = arith.constant 16 : index
        %parallel_loop3A_323 = tpu.vector_load %arg10[%parallel_loop3A_321, %parallel_loop3A_322] {strides = array<i32>} : memref<128x128xf32, #tpu.memory_space<vmem>>, vector<1x16xf32>,
        %parallel_loop3A_324 = vector.shape_cast %parallel_loop3A_323 : vector<1x16xf32> to vector<16xf32>
        %parallel_loop3A_325 = arith.index_cast %parallel_loop3A_311 : i32 to index
        %parallel_loop3A_326 = arith.constant 16 : index
        %parallel_loop3A_327 = tpu.vector_load %arg7[%parallel_loop3A_325, %parallel_loop3A_326] {strides = array<i32>} : memref<200x128xf32, #tpu.memory_space<vmem>>, vector<1x16xf32>,
        %parallel_loop3A_328 = vector.shape_cast %parallel_loop3A_327 : vector<1x16xf32> to vector<16xf32>
        %parallel_loop3A_329 = arith.addf %parallel_loop3A_324, %parallel_loop3A_328 : vector<16xf32>
        %parallel_loop3A_330 = arith.index_cast %parallel_loop3A_304 : i32 to index
        %parallel_loop3A_331 = arith.constant 32 : index
        %parallel_loop3A_332 = tpu.vector_load %arg10[%parallel_loop3A_330, %parallel_loop3A_331] {strides = array<i32>} : memref<128x128xf32, #tpu.memory_space<vmem>>, vector<1x16xf32>,
        %parallel_loop3A_333 = vector.shape_cast %parallel_loop3A_332 : vector<1x16xf32> to vector<16xf32>
        %parallel_loop3A_334 = arith.index_cast %parallel_loop3A_311 : i32 to index
        %parallel_loop3A_335 = arith.constant 32 : index
        %parallel_loop3A_336 = tpu.vector_load %arg7[%parallel_loop3A_334, %parallel_loop3A_335] {strides = array<i32>} : memref<200x128xf32, #tpu.memory_space<vmem>>, vector<1x16xf32>,
        %parallel_loop3A_337 = vector.shape_cast %parallel_loop3A_336 : vector<1x16xf32> to vector<16xf32>
        %parallel_loop3A_338 = arith.addf %parallel_loop3A_333, %parallel_loop3A_337 : vector<16xf32>
        %parallel_loop3A_339 = arith.index_cast %parallel_loop3A_304 : i32 to index
        %parallel_loop3A_340 = arith.constant 48 : index
        %parallel_loop3A_341 = tpu.vector_load %arg10[%parallel_loop3A_339, %parallel_loop3A_340] {strides = array<i32>} : memref<128x128xf32, #tpu.memory_space<vmem>>, vector<1x16xf32>,
        %parallel_loop3A_342 = vector.shape_cast %parallel_loop3A_341 : vector<1x16xf32> to vector<16xf32>
        %parallel_loop3A_343 = arith.index_cast %parallel_loop3A_311 : i32 to index
        %parallel_loop3A_344 = arith.constant 48 : index
        %parallel_loop3A_345 = tpu.vector_load %arg7[%parallel_loop3A_343, %parallel_loop3A_344] {strides = array<i32>} : memref<200x128xf32, #tpu.memory_space<vmem>>, vector<1x16xf32>,
        %parallel_loop3A_346 = vector.shape_cast %parallel_loop3A_345 : vector<1x16xf32> to vector<16xf32>
        %parallel_loop3A_347 = arith.addf %parallel_loop3A_342, %parallel_loop3A_346 : vector<16xf32>
        %parallel_loop3A_348 = arith.index_cast %parallel_loop3A_304 : i32 to index
        %parallel_loop3A_349 = arith.constant 64 : index
        %parallel_loop3A_350 = tpu.vector_load %arg10[%parallel_loop3A_348, %parallel_loop3A_349] {strides = array<i32>} : memref<128x128xf32, #tpu.memory_space<vmem>>, vector<1x16xf32>,
        %parallel_loop3A_351 = vector.shape_cast %parallel_loop3A_350 : vector<1x16xf32> to vector<16xf32>
        %parallel_loop3A_352 = arith.index_cast %parallel_loop3A_311 : i32 to index
        %parallel_loop3A_353 = arith.constant 64 : index
        %parallel_loop3A_354 = tpu.vector_load %arg7[%parallel_loop3A_352, %parallel_loop3A_353] {strides = array<i32>} : memref<200x128xf32, #tpu.memory_space<vmem>>, vector<1x16xf32>,
        %parallel_loop3A_355 = vector.shape_cast %parallel_loop3A_354 : vector<1x16xf32> to vector<16xf32>
        %parallel_loop3A_356 = arith.addf %parallel_loop3A_351, %parallel_loop3A_355 : vector<16xf32>
        %parallel_loop3A_357 = arith.index_cast %parallel_loop3A_304 : i32 to index
        %parallel_loop3A_358 = arith.constant 80 : index
        %parallel_loop3A_359 = tpu.vector_load %arg10[%parallel_loop3A_357, %parallel_loop3A_358] {strides = array<i32>} : memref<128x128xf32, #tpu.memory_space<vmem>>, vector<1x16xf32>,
        %parallel_loop3A_360 = vector.shape_cast %parallel_loop3A_359 : vector<1x16xf32> to vector<16xf32>
        %parallel_loop3A_361 = arith.index_cast %parallel_loop3A_311 : i32 to index
        %parallel_loop3A_362 = arith.constant 80 : index
        %parallel_loop3A_363 = tpu.vector_load %arg7[%parallel_loop3A_361, %parallel_loop3A_362] {strides = array<i32>} : memref<200x128xf32, #tpu.memory_space<vmem>>, vector<1x16xf32>,
        %parallel_loop3A_364 = vector.shape_cast %parallel_loop3A_363 : vector<1x16xf32> to vector<16xf32>
        %parallel_loop3A_365 = arith.addf %parallel_loop3A_360, %parallel_loop3A_364 : vector<16xf32>
        %parallel_loop3A_366 = arith.index_cast %parallel_loop3A_304 : i32 to index
        %parallel_loop3A_367 = arith.constant 96 : index
        %parallel_loop3A_368 = tpu.vector_load %arg10[%parallel_loop3A_366, %parallel_loop3A_367] {strides = array<i32>} : memref<128x128xf32, #tpu.memory_space<vmem>>, vector<1x16xf32>,
        %parallel_loop3A_369 = vector.shape_cast %parallel_loop3A_368 : vector<1x16xf32> to vector<16xf32>
        %parallel_loop3A_370 = arith.index_cast %parallel_loop3A_311 : i32 to index
        %parallel_loop3A_371 = arith.constant 96 : index
        %parallel_loop3A_372 = tpu.vector_load %arg7[%parallel_loop3A_370, %parallel_loop3A_371] {strides = array<i32>} : memref<200x128xf32, #tpu.memory_space<vmem>>, vector<1x16xf32>,
        %parallel_loop3A_373 = vector.shape_cast %parallel_loop3A_372 : vector<1x16xf32> to vector<16xf32>
        %parallel_loop3A_374 = arith.addf %parallel_loop3A_369, %parallel_loop3A_373 : vector<16xf32>
        %parallel_loop3A_375 = arith.index_cast %parallel_loop3A_304 : i32 to index
        %parallel_loop3A_376 = arith.constant 112 : index
        %parallel_loop3A_377 = tpu.vector_load %arg10[%parallel_loop3A_375, %parallel_loop3A_376] {strides = array<i32>} : memref<128x128xf32, #tpu.memory_space<vmem>>, vector<1x16xf32>,
        %parallel_loop3A_378 = vector.shape_cast %parallel_loop3A_377 : vector<1x16xf32> to vector<16xf32>
        %parallel_loop3A_379 = arith.index_cast %parallel_loop3A_311 : i32 to index
        %parallel_loop3A_380 = arith.constant 112 : index
        %parallel_loop3A_381 = tpu.vector_load %arg7[%parallel_loop3A_379, %parallel_loop3A_380] {strides = array<i32>} : memref<200x128xf32, #tpu.memory_space<vmem>>, vector<1x16xf32>,
        %parallel_loop3A_382 = vector.shape_cast %parallel_loop3A_381 : vector<1x16xf32> to vector<16xf32>
        %parallel_loop3A_383 = arith.addf %parallel_loop3A_378, %parallel_loop3A_382 : vector<16xf32>
        %parallel_loop3A_384 = arith.index_cast %parallel_loop3A_304 : i32 to index
        %parallel_loop3A_385 = arith.constant 0 : index
        %parallel_loop3A_386 = tpu.vector_load %arg10[%parallel_loop3A_384, %parallel_loop3A_385] {strides = array<i32>} : memref<128x128xf32, #tpu.memory_space<vmem>>, vector<1x16xf32>,
        %parallel_loop3A_387 = vector.shape_cast %parallel_loop3A_386 : vector<1x16xf32> to vector<16xf32>
        %parallel_loop3A_388 = vector.shape_cast %parallel_loop3A_320 : vector<16xf32> to vector<1x16xf32>
        tpu.vector_store %arg10[%parallel_loop3A_384, %parallel_loop3A_385], %parallel_loop3A_388 {strides = array<i32>} : memref<128x128xf32, #tpu.memory_space<vmem>>, vector<1x16xf32>,
        %parallel_loop3A_389 = arith.index_cast %parallel_loop3A_304 : i32 to index
        %parallel_loop3A_390 = arith.constant 16 : index
        %parallel_loop3A_391 = tpu.vector_load %arg10[%parallel_loop3A_389, %parallel_loop3A_390] {strides = array<i32>} : memref<128x128xf32, #tpu.memory_space<vmem>>, vector<1x16xf32>,
        %parallel_loop3A_392 = vector.shape_cast %parallel_loop3A_391 : vector<1x16xf32> to vector<16xf32>
        %parallel_loop3A_393 = vector.shape_cast %parallel_loop3A_329 : vector<16xf32> to vector<1x16xf32>
        tpu.vector_store %arg10[%parallel_loop3A_389, %parallel_loop3A_390], %parallel_loop3A_393 {strides = array<i32>} : memref<128x128xf32, #tpu.memory_space<vmem>>, vector<1x16xf32>,
        %parallel_loop3A_394 = arith.index_cast %parallel_loop3A_304 : i32 to index
        %parallel_loop3A_395 = arith.constant 32 : index
        %parallel_loop3A_396 = tpu.vector_load %arg10[%parallel_loop3A_394, %parallel_loop3A_395] {strides = array<i32>} : memref<128x128xf32, #tpu.memory_space<vmem>>, vector<1x16xf32>,
        %parallel_loop3A_397 = vector.shape_cast %parallel_loop3A_396 : vector<1x16xf32> to vector<16xf32>
        %parallel_loop3A_398 = vector.shape_cast %parallel_loop3A_338 : vector<16xf32> to vector<1x16xf32>
        tpu.vector_store %arg10[%parallel_loop3A_394, %parallel_loop3A_395], %parallel_loop3A_398 {strides = array<i32>} : memref<128x128xf32, #tpu.memory_space<vmem>>, vector<1x16xf32>,
        %parallel_loop3A_399 = arith.index_cast %parallel_loop3A_304 : i32 to index
        %parallel_loop3A_400 = arith.constant 48 : index
        %parallel_loop3A_401 = tpu.vector_load %arg10[%parallel_loop3A_399, %parallel_loop3A_400] {strides = array<i32>} : memref<128x128xf32, #tpu.memory_space<vmem>>, vector<1x16xf32>,
        %parallel_loop3A_402 = vector.shape_cast %parallel_loop3A_401 : vector<1x16xf32> to vector<16xf32>
        %parallel_loop3A_403 = vector.shape_cast %parallel_loop3A_347 : vector<16xf32> to vector<1x16xf32>
        tpu.vector_store %arg10[%parallel_loop3A_399, %parallel_loop3A_400], %parallel_loop3A_403 {strides = array<i32>} : memref<128x128xf32, #tpu.memory_space<vmem>>, vector<1x16xf32>,
        %parallel_loop3A_404 = arith.index_cast %parallel_loop3A_304 : i32 to index
        %parallel_loop3A_405 = arith.constant 64 : index
        %parallel_loop3A_406 = tpu.vector_load %arg10[%parallel_loop3A_404, %parallel_loop3A_405] {strides = array<i32>} : memref<128x128xf32, #tpu.memory_space<vmem>>, vector<1x16xf32>,
        %parallel_loop3A_407 = vector.shape_cast %parallel_loop3A_406 : vector<1x16xf32> to vector<16xf32>
        %parallel_loop3A_408 = vector.shape_cast %parallel_loop3A_356 : vector<16xf32> to vector<1x16xf32>
        tpu.vector_store %arg10[%parallel_loop3A_404, %parallel_loop3A_405], %parallel_loop3A_408 {strides = array<i32>} : memref<128x128xf32, #tpu.memory_space<vmem>>, vector<1x16xf32>,
        %parallel_loop3A_409 = arith.index_cast %parallel_loop3A_304 : i32 to index
        %parallel_loop3A_410 = arith.constant 80 : index
        %parallel_loop3A_411 = tpu.vector_load %arg10[%parallel_loop3A_409, %parallel_loop3A_410] {strides = array<i32>} : memref<128x128xf32, #tpu.memory_space<vmem>>, vector<1x16xf32>,
        %parallel_loop3A_412 = vector.shape_cast %parallel_loop3A_411 : vector<1x16xf32> to vector<16xf32>
        %parallel_loop3A_413 = vector.shape_cast %parallel_loop3A_365 : vector<16xf32> to vector<1x16xf32>
        tpu.vector_store %arg10[%parallel_loop3A_409, %parallel_loop3A_410], %parallel_loop3A_413 {strides = array<i32>} : memref<128x128xf32, #tpu.memory_space<vmem>>, vector<1x16xf32>,
        %parallel_loop3A_414 = arith.index_cast %parallel_loop3A_304 : i32 to index
        %parallel_loop3A_415 = arith.constant 96 : index
        %parallel_loop3A_416 = tpu.vector_load %arg10[%parallel_loop3A_414, %parallel_loop3A_415] {strides = array<i32>} : memref<128x128xf32, #tpu.memory_space<vmem>>, vector<1x16xf32>,
        %parallel_loop3A_417 = vector.shape_cast %parallel_loop3A_416 : vector<1x16xf32> to vector<16xf32>
        %parallel_loop3A_418 = vector.shape_cast %parallel_loop3A_374 : vector<16xf32> to vector<1x16xf32>
        tpu.vector_store %arg10[%parallel_loop3A_414, %parallel_loop3A_415], %parallel_loop3A_418 {strides = array<i32>} : memref<128x128xf32, #tpu.memory_space<vmem>>, vector<1x16xf32>,
        %parallel_loop3A_419 = arith.index_cast %parallel_loop3A_304 : i32 to index
        %parallel_loop3A_420 = arith.constant 112 : index
        %parallel_loop3A_421 = tpu.vector_load %arg10[%parallel_loop3A_419, %parallel_loop3A_420] {strides = array<i32>} : memref<128x128xf32, #tpu.memory_space<vmem>>, vector<1x16xf32>,
        %parallel_loop3A_422 = vector.shape_cast %parallel_loop3A_421 : vector<1x16xf32> to vector<16xf32>
        %parallel_loop3A_423 = vector.shape_cast %parallel_loop3A_383 : vector<16xf32> to vector<1x16xf32>
        tpu.vector_store %arg10[%parallel_loop3A_419, %parallel_loop3A_420], %parallel_loop3A_423 {strides = array<i32>} : memref<128x128xf32, #tpu.memory_space<vmem>>, vector<1x16xf32>,
      } {sc.loop_unroll_factor = 4 : i64, sc.parallel_access}
      %add3A_234 = arith.addi %mul3A_2, %add3A_181 : i32
      %mul3A_235 = arith.constant 128 : i32
      %mul3A_236 = arith.muli %add3A_234, %mul3A_235 : i32
      %dma_start3A_237 = arith.constant 0 : i32
      %dma_start3A_238 = tpu.memref_slice %arg5[%mul3A_236, %dma_start3A_237] : memref<819200x128xf32, #tpu.memory_space<hbm>> -> memref<128x128xf32, #tpu.memory_space<hbm>>
      %dma_start3A_239 = arith.constant 0 : i32
      %dma_start3A_240 = tpu.memref_slice %arg5[%mul3A_236, %dma_start3A_239] : memref<819200x128xf32, #tpu.memory_space<hbm>> -> memref<128x128xf32, #tpu.memory_space<hbm>>
      tpu.enqueue_dma source(%arg10 : memref<128x128xf32, #tpu.memory_space<vmem>>) target(%dma_start3A_240 : memref<128x128xf32, #tpu.memory_space<hbm>>) target_semaphore(%arg22 : memref<!tpu.dma_semaphore, #tpu.memory_space<semaphore_mem>>)
      %mul3A_241 = arith.constant 4 : i32
      %mul3A_242 = arith.muli %scan3A_62, %mul3A_241 : i32
      %add3A_243 = arith.constant 3 : i32
      %add3A_244 = arith.addi %mul3A_242, %add3A_243 : i32
      %dma_wait3A_245 = arith.constant 0 : i32
      %dma_wait3A_246 = arith.constant 0 : i32
      %dma_wait3A_247 = tpu.memref_slice %arg11[%dma_wait3A_245, %dma_wait3A_246] : memref<128x128xf32, #tpu.memory_space<vmem>> -> memref<64x128xf32, #tpu.memory_space<vmem>>
      %dma_wait3A_248 = arith.constant 0 : i32
      %dma_wait3A_249 = tpu.memref_slice %arg6[%add3A_244, %dma_wait3A_248] : memref<200x128xi32, #tpu.memory_space<vmem>> -> memref<1x64xi32, #tpu.memory_space<vmem>>
      %dma_wait3A_250 = tpu.memref_squeeze %dma_wait3A_249 : memref<1x64xi32, #tpu.memory_space<vmem>> -> memref<64xi32, #tpu.memory_space<vmem>>
      %dma_wait3A_251 = arith.constant 0 : i32
      %dma_wait3A_252 = arith.constant 0 : i32
      %dma_wait3A_253 = tpu.memref_slice %arg3[%dma_wait3A_251, %dma_wait3A_252] : memref<100000x128xf32, #tpu.memory_space<hbm>> -> memref<100000x128xf32, #tpu.memory_space<hbm>>
      tpu.wait_indirect_dma semaphore(%arg18 : memref<!tpu.dma_semaphore, #tpu.memory_space<semaphore_mem>>) src(%dma_wait3A_253 : memref<100000x128xf32, #tpu.memory_space<hbm>>) dst(%dma_wait3A_247 : memref<64x128xf32, #tpu.memory_space<vmem>>)
      %dma_wait3A_254 = arith.constant 64 : i32
      %dma_wait3A_255 = arith.constant 0 : i32
      %dma_wait3A_256 = tpu.memref_slice %arg11[%dma_wait3A_254, %dma_wait3A_255] : memref<128x128xf32, #tpu.memory_space<vmem>> -> memref<64x128xf32, #tpu.memory_space<vmem>>
      %dma_wait3A_257 = arith.constant 64 : i32
      %dma_wait3A_258 = tpu.memref_slice %arg6[%add3A_244, %dma_wait3A_257] : memref<200x128xi32, #tpu.memory_space<vmem>> -> memref<1x64xi32, #tpu.memory_space<vmem>>
      %dma_wait3A_259 = tpu.memref_squeeze %dma_wait3A_258 : memref<1x64xi32, #tpu.memory_space<vmem>> -> memref<64xi32, #tpu.memory_space<vmem>>
      %dma_wait3A_260 = arith.constant 0 : i32
      %dma_wait3A_261 = arith.constant 0 : i32
      %dma_wait3A_262 = tpu.memref_slice %arg3[%dma_wait3A_260, %dma_wait3A_261] : memref<100000x128xf32, #tpu.memory_space<hbm>> -> memref<100000x128xf32, #tpu.memory_space<hbm>>
      tpu.wait_indirect_dma semaphore(%arg19 : memref<!tpu.dma_semaphore, #tpu.memory_space<semaphore_mem>>) src(%dma_wait3A_262 : memref<100000x128xf32, #tpu.memory_space<hbm>>) dst(%dma_wait3A_256 : memref<64x128xf32, #tpu.memory_space<vmem>>)
      %ge3A_263 = arith.constant 2 : i32
      %ge3A_264 = arith.cmpi sge, %add3A_244, %ge3A_263 : i32
      %convert_element_type3A_265 = arith.extui %ge3A_264 : i1 to i32
      %cond3A_266 = arith.constant 0 : i32
      %cond3A_267 = arith.cmpi ne, %convert_element_type3A_265, %cond3A_266 : i32
      scf.if %cond3A_267 {
        %sub3A = arith.constant 2 : i32
        %sub3A_304 = arith.subi %add3A_244, %sub3A : i32
        %add3A_305 = arith.addi %mul3A_2, %sub3A_304 : i32
        %mul3A_306 = arith.constant 128 : i32
        %mul3A_307 = arith.muli %add3A_305, %mul3A_306 : i32
        %dma_wait3A_308 = arith.constant 0 : i32
        %dma_wait3A_309 = tpu.memref_slice %arg5[%mul3A_307, %dma_wait3A_308] : memref<819200x128xf32, #tpu.memory_space<hbm>> -> memref<128x128xf32, #tpu.memory_space<hbm>>
        %dma_wait3A_310 = arith.constant 0 : i32
        %dma_wait3A_311 = tpu.memref_slice %arg5[%mul3A_307, %dma_wait3A_310] : memref<819200x128xf32, #tpu.memory_space<hbm>> -> memref<128x128xf32, #tpu.memory_space<hbm>>
        tpu.wait_dma2 semaphore(%arg21 : memref<!tpu.dma_semaphore, #tpu.memory_space<semaphore_mem>>) src(%arg9 : memref<128x128xf32, #tpu.memory_space<vmem>>) dst(%dma_wait3A_311 : memref<128x128xf32, #tpu.memory_space<hbm>>)
      } else {
      }
      %add3A_268 = arith.constant 2 : i32
      %add3A_269 = arith.addi %add3A_244, %add3A_268 : i32
      %lt3A_270 = arith.constant 200 : i32
      %lt3A_271 = arith.cmpi slt, %add3A_269, %lt3A_270 : i32
      %convert_element_type3A_272 = arith.extui %lt3A_271 : i1 to i32
      %cond3A_273 = arith.constant 0 : i32
      %cond3A_274 = arith.cmpi ne, %convert_element_type3A_272, %cond3A_273 : i32
      scf.if %cond3A_274 {
        %add3A_304 = arith.constant 2 : i32
        %add3A_305 = arith.addi %add3A_244, %add3A_304 : i32
        %dma_start3A_306 = arith.constant 0 : i32
        %dma_start3A_307 = arith.constant 0 : i32
        %dma_start3A_308 = tpu.memref_slice %arg9[%dma_start3A_306, %dma_start3A_307] : memref<128x128xf32, #tpu.memory_space<vmem>> -> memref<64x128xf32, #tpu.memory_space<vmem>>
        %dma_start3A_309 = arith.constant 0 : i32
        %dma_start3A_310 = tpu.memref_slice %arg6[%add3A_305, %dma_start3A_309] : memref<200x128xi32, #tpu.memory_space<vmem>> -> memref<1x64xi32, #tpu.memory_space<vmem>>
        %dma_start3A_311 = tpu.memref_squeeze %dma_start3A_310 : memref<1x64xi32, #tpu.memory_space<vmem>> -> memref<64xi32, #tpu.memory_space<vmem>>
        %dma_start3A_312 = arith.constant 0 : i32
        %dma_start3A_313 = arith.constant 0 : i32
        %dma_start3A_314 = tpu.memref_slice %arg3[%dma_start3A_312, %dma_start3A_313] : memref<100000x128xf32, #tpu.memory_space<hbm>> -> memref<100000x128xf32, #tpu.memory_space<hbm>>
        tpu.enqueue_indirect_dma source(%dma_start3A_314 : memref<100000x128xf32, #tpu.memory_space<hbm>>) target(%dma_start3A_308 : memref<64x128xf32, #tpu.memory_space<vmem>>) offsets(%dma_start3A_311 : memref<64xi32, #tpu.memory_space<vmem>>) semaphore(%arg14 : memref<!tpu.dma_semaphore, #tpu.memory_space<semaphore_mem>>)
        %dma_start3A_315 = arith.constant 64 : i32
        %dma_start3A_316 = arith.constant 0 : i32
        %dma_start3A_317 = tpu.memref_slice %arg9[%dma_start3A_315, %dma_start3A_316] : memref<128x128xf32, #tpu.memory_space<vmem>> -> memref<64x128xf32, #tpu.memory_space<vmem>>
        %dma_start3A_318 = arith.constant 64 : i32
        %dma_start3A_319 = tpu.memref_slice %arg6[%add3A_305, %dma_start3A_318] : memref<200x128xi32, #tpu.memory_space<vmem>> -> memref<1x64xi32, #tpu.memory_space<vmem>>
        %dma_start3A_320 = tpu.memref_squeeze %dma_start3A_319 : memref<1x64xi32, #tpu.memory_space<vmem>> -> memref<64xi32, #tpu.memory_space<vmem>>
        %dma_start3A_321 = arith.constant 0 : i32
        %dma_start3A_322 = arith.constant 0 : i32
        %dma_start3A_323 = tpu.memref_slice %arg3[%dma_start3A_321, %dma_start3A_322] : memref<100000x128xf32, #tpu.memory_space<hbm>> -> memref<100000x128xf32, #tpu.memory_space<hbm>>
        tpu.enqueue_indirect_dma source(%dma_start3A_323 : memref<100000x128xf32, #tpu.memory_space<hbm>>) target(%dma_start3A_317 : memref<64x128xf32, #tpu.memory_space<vmem>>) offsets(%dma_start3A_320 : memref<64xi32, #tpu.memory_space<vmem>>) semaphore(%arg15 : memref<!tpu.dma_semaphore, #tpu.memory_space<semaphore_mem>>)
      } else {
      }
      %add3A_275 = arith.addi %mul3A_2, %add3A_244 : i32
      %mul3A_276 = arith.constant 128 : i32
      %mul3A_277 = arith.muli %add3A_275, %mul3A_276 : i32
      %jit3A_278 = arith.constant 200 : i32
      %eq3A_279 = arith.constant 0 : i32
      %eq3A_280 = arith.cmpi eq, %jit3A_278, %eq3A_279 : i32
      %jit3A_281 = arith.constant 1 : i32
      %select_n3A_282 = arith.select %eq3A_280, %jit3A_281, %jit3A_278 : i32
      %rem3A_283 = arith.remsi %mul3A_277, %select_n3A_282 : i32
      %ne3A_284 = arith.constant 0 : i32
      %ne3A_285 = arith.cmpi ne, %rem3A_283, %ne3A_284 : i32
      %lt3A_286 = arith.constant 0 : i32
      %lt3A_287 = arith.cmpi slt, %rem3A_283, %lt3A_286 : i32
      %lt3A_288 = arith.constant 0 : i32
      %lt3A_289 = arith.cmpi slt, %select_n3A_282, %lt3A_288 : i32
      %ne3A_290 = arith.xori %lt3A_287, %lt3A_289 : i1
      %and3A_291 = arith.andi %ne3A_290, %ne3A_285 : i1
      %add3A_292 = arith.addi %rem3A_283, %select_n3A_282 : i32
      %select_n3A_293 = arith.select %and3A_291, %add3A_292, %rem3A_283 : i32
      %parallel_loop3A_294 = arith.constant 0 : i32
      %parallel_loop3A_295 = arith.constant 128 : i32
      %parallel_loop3A_296 = arith.constant 1 : i32
      scf.for %parallel_loop3A_304 = %parallel_loop3A_294 to %parallel_loop3A_295 step %parallel_loop3A_296  : i32 {
        %parallel_loop3A_305 = arith.addi %select_n3A_293, %parallel_loop3A_304 : i32
        %parallel_loop3A_306 = arith.constant 200 : i32
        %parallel_loop3A_307 = arith.cmpi sge, %parallel_loop3A_305, %parallel_loop3A_306 : i32
        %parallel_loop3A_308 = arith.constant 200 : i32
        %parallel_loop3A_309 = arith.constant 0 : i32
        %parallel_loop3A_310 = arith.select %parallel_loop3A_307, %parallel_loop3A_308, %parallel_loop3A_309 : i32
        %parallel_loop3A_311 = arith.subi %parallel_loop3A_305, %parallel_loop3A_310 : i32
        %parallel_loop3A_312 = arith.index_cast %parallel_loop3A_304 : i32 to index
        %parallel_loop3A_313 = arith.constant 0 : index
        %parallel_loop3A_314 = tpu.vector_load %arg11[%parallel_loop3A_312, %parallel_loop3A_313] {strides = array<i32>} : memref<128x128xf32, #tpu.memory_space<vmem>>, vector<1x16xf32>,
        %parallel_loop3A_315 = vector.shape_cast %parallel_loop3A_314 : vector<1x16xf32> to vector<16xf32>
        %parallel_loop3A_316 = arith.index_cast %parallel_loop3A_311 : i32 to index
        %parallel_loop3A_317 = arith.constant 0 : index
        %parallel_loop3A_318 = tpu.vector_load %arg7[%parallel_loop3A_316, %parallel_loop3A_317] {strides = array<i32>} : memref<200x128xf32, #tpu.memory_space<vmem>>, vector<1x16xf32>,
        %parallel_loop3A_319 = vector.shape_cast %parallel_loop3A_318 : vector<1x16xf32> to vector<16xf32>
        %parallel_loop3A_320 = arith.addf %parallel_loop3A_315, %parallel_loop3A_319 : vector<16xf32>
        %parallel_loop3A_321 = arith.index_cast %parallel_loop3A_304 : i32 to index
        %parallel_loop3A_322 = arith.constant 16 : index
        %parallel_loop3A_323 = tpu.vector_load %arg11[%parallel_loop3A_321, %parallel_loop3A_322] {strides = array<i32>} : memref<128x128xf32, #tpu.memory_space<vmem>>, vector<1x16xf32>,
        %parallel_loop3A_324 = vector.shape_cast %parallel_loop3A_323 : vector<1x16xf32> to vector<16xf32>
        %parallel_loop3A_325 = arith.index_cast %parallel_loop3A_311 : i32 to index
        %parallel_loop3A_326 = arith.constant 16 : index
        %parallel_loop3A_327 = tpu.vector_load %arg7[%parallel_loop3A_325, %parallel_loop3A_326] {strides = array<i32>} : memref<200x128xf32, #tpu.memory_space<vmem>>, vector<1x16xf32>,
        %parallel_loop3A_328 = vector.shape_cast %parallel_loop3A_327 : vector<1x16xf32> to vector<16xf32>
        %parallel_loop3A_329 = arith.addf %parallel_loop3A_324, %parallel_loop3A_328 : vector<16xf32>
        %parallel_loop3A_330 = arith.index_cast %parallel_loop3A_304 : i32 to index
        %parallel_loop3A_331 = arith.constant 32 : index
        %parallel_loop3A_332 = tpu.vector_load %arg11[%parallel_loop3A_330, %parallel_loop3A_331] {strides = array<i32>} : memref<128x128xf32, #tpu.memory_space<vmem>>, vector<1x16xf32>,
        %parallel_loop3A_333 = vector.shape_cast %parallel_loop3A_332 : vector<1x16xf32> to vector<16xf32>
        %parallel_loop3A_334 = arith.index_cast %parallel_loop3A_311 : i32 to index
        %parallel_loop3A_335 = arith.constant 32 : index
        %parallel_loop3A_336 = tpu.vector_load %arg7[%parallel_loop3A_334, %parallel_loop3A_335] {strides = array<i32>} : memref<200x128xf32, #tpu.memory_space<vmem>>, vector<1x16xf32>,
        %parallel_loop3A_337 = vector.shape_cast %parallel_loop3A_336 : vector<1x16xf32> to vector<16xf32>
        %parallel_loop3A_338 = arith.addf %parallel_loop3A_333, %parallel_loop3A_337 : vector<16xf32>
        %parallel_loop3A_339 = arith.index_cast %parallel_loop3A_304 : i32 to index
        %parallel_loop3A_340 = arith.constant 48 : index
        %parallel_loop3A_341 = tpu.vector_load %arg11[%parallel_loop3A_339, %parallel_loop3A_340] {strides = array<i32>} : memref<128x128xf32, #tpu.memory_space<vmem>>, vector<1x16xf32>,
        %parallel_loop3A_342 = vector.shape_cast %parallel_loop3A_341 : vector<1x16xf32> to vector<16xf32>
        %parallel_loop3A_343 = arith.index_cast %parallel_loop3A_311 : i32 to index
        %parallel_loop3A_344 = arith.constant 48 : index
        %parallel_loop3A_345 = tpu.vector_load %arg7[%parallel_loop3A_343, %parallel_loop3A_344] {strides = array<i32>} : memref<200x128xf32, #tpu.memory_space<vmem>>, vector<1x16xf32>,
        %parallel_loop3A_346 = vector.shape_cast %parallel_loop3A_345 : vector<1x16xf32> to vector<16xf32>
        %parallel_loop3A_347 = arith.addf %parallel_loop3A_342, %parallel_loop3A_346 : vector<16xf32>
        %parallel_loop3A_348 = arith.index_cast %parallel_loop3A_304 : i32 to index
        %parallel_loop3A_349 = arith.constant 64 : index
        %parallel_loop3A_350 = tpu.vector_load %arg11[%parallel_loop3A_348, %parallel_loop3A_349] {strides = array<i32>} : memref<128x128xf32, #tpu.memory_space<vmem>>, vector<1x16xf32>,
        %parallel_loop3A_351 = vector.shape_cast %parallel_loop3A_350 : vector<1x16xf32> to vector<16xf32>
        %parallel_loop3A_352 = arith.index_cast %parallel_loop3A_311 : i32 to index
        %parallel_loop3A_353 = arith.constant 64 : index
        %parallel_loop3A_354 = tpu.vector_load %arg7[%parallel_loop3A_352, %parallel_loop3A_353] {strides = array<i32>} : memref<200x128xf32, #tpu.memory_space<vmem>>, vector<1x16xf32>,
        %parallel_loop3A_355 = vector.shape_cast %parallel_loop3A_354 : vector<1x16xf32> to vector<16xf32>
        %parallel_loop3A_356 = arith.addf %parallel_loop3A_351, %parallel_loop3A_355 : vector<16xf32>
        %parallel_loop3A_357 = arith.index_cast %parallel_loop3A_304 : i32 to index
        %parallel_loop3A_358 = arith.constant 80 : index
        %parallel_loop3A_359 = tpu.vector_load %arg11[%parallel_loop3A_357, %parallel_loop3A_358] {strides = array<i32>} : memref<128x128xf32, #tpu.memory_space<vmem>>, vector<1x16xf32>,
        %parallel_loop3A_360 = vector.shape_cast %parallel_loop3A_359 : vector<1x16xf32> to vector<16xf32>
        %parallel_loop3A_361 = arith.index_cast %parallel_loop3A_311 : i32 to index
        %parallel_loop3A_362 = arith.constant 80 : index
        %parallel_loop3A_363 = tpu.vector_load %arg7[%parallel_loop3A_361, %parallel_loop3A_362] {strides = array<i32>} : memref<200x128xf32, #tpu.memory_space<vmem>>, vector<1x16xf32>,
        %parallel_loop3A_364 = vector.shape_cast %parallel_loop3A_363 : vector<1x16xf32> to vector<16xf32>
        %parallel_loop3A_365 = arith.addf %parallel_loop3A_360, %parallel_loop3A_364 : vector<16xf32>
        %parallel_loop3A_366 = arith.index_cast %parallel_loop3A_304 : i32 to index
        %parallel_loop3A_367 = arith.constant 96 : index
        %parallel_loop3A_368 = tpu.vector_load %arg11[%parallel_loop3A_366, %parallel_loop3A_367] {strides = array<i32>} : memref<128x128xf32, #tpu.memory_space<vmem>>, vector<1x16xf32>,
        %parallel_loop3A_369 = vector.shape_cast %parallel_loop3A_368 : vector<1x16xf32> to vector<16xf32>
        %parallel_loop3A_370 = arith.index_cast %parallel_loop3A_311 : i32 to index
        %parallel_loop3A_371 = arith.constant 96 : index
        %parallel_loop3A_372 = tpu.vector_load %arg7[%parallel_loop3A_370, %parallel_loop3A_371] {strides = array<i32>} : memref<200x128xf32, #tpu.memory_space<vmem>>, vector<1x16xf32>,
        %parallel_loop3A_373 = vector.shape_cast %parallel_loop3A_372 : vector<1x16xf32> to vector<16xf32>
        %parallel_loop3A_374 = arith.addf %parallel_loop3A_369, %parallel_loop3A_373 : vector<16xf32>
        %parallel_loop3A_375 = arith.index_cast %parallel_loop3A_304 : i32 to index
        %parallel_loop3A_376 = arith.constant 112 : index
        %parallel_loop3A_377 = tpu.vector_load %arg11[%parallel_loop3A_375, %parallel_loop3A_376] {strides = array<i32>} : memref<128x128xf32, #tpu.memory_space<vmem>>, vector<1x16xf32>,
        %parallel_loop3A_378 = vector.shape_cast %parallel_loop3A_377 : vector<1x16xf32> to vector<16xf32>
        %parallel_loop3A_379 = arith.index_cast %parallel_loop3A_311 : i32 to index
        %parallel_loop3A_380 = arith.constant 112 : index
        %parallel_loop3A_381 = tpu.vector_load %arg7[%parallel_loop3A_379, %parallel_loop3A_380] {strides = array<i32>} : memref<200x128xf32, #tpu.memory_space<vmem>>, vector<1x16xf32>,
        %parallel_loop3A_382 = vector.shape_cast %parallel_loop3A_381 : vector<1x16xf32> to vector<16xf32>
        %parallel_loop3A_383 = arith.addf %parallel_loop3A_378, %parallel_loop3A_382 : vector<16xf32>
        %parallel_loop3A_384 = arith.index_cast %parallel_loop3A_304 : i32 to index
        %parallel_loop3A_385 = arith.constant 0 : index
        %parallel_loop3A_386 = tpu.vector_load %arg11[%parallel_loop3A_384, %parallel_loop3A_385] {strides = array<i32>} : memref<128x128xf32, #tpu.memory_space<vmem>>, vector<1x16xf32>,
        %parallel_loop3A_387 = vector.shape_cast %parallel_loop3A_386 : vector<1x16xf32> to vector<16xf32>
        %parallel_loop3A_388 = vector.shape_cast %parallel_loop3A_320 : vector<16xf32> to vector<1x16xf32>
        tpu.vector_store %arg11[%parallel_loop3A_384, %parallel_loop3A_385], %parallel_loop3A_388 {strides = array<i32>} : memref<128x128xf32, #tpu.memory_space<vmem>>, vector<1x16xf32>,
        %parallel_loop3A_389 = arith.index_cast %parallel_loop3A_304 : i32 to index
        %parallel_loop3A_390 = arith.constant 16 : index
        %parallel_loop3A_391 = tpu.vector_load %arg11[%parallel_loop3A_389, %parallel_loop3A_390] {strides = array<i32>} : memref<128x128xf32, #tpu.memory_space<vmem>>, vector<1x16xf32>,
        %parallel_loop3A_392 = vector.shape_cast %parallel_loop3A_391 : vector<1x16xf32> to vector<16xf32>
        %parallel_loop3A_393 = vector.shape_cast %parallel_loop3A_329 : vector<16xf32> to vector<1x16xf32>
        tpu.vector_store %arg11[%parallel_loop3A_389, %parallel_loop3A_390], %parallel_loop3A_393 {strides = array<i32>} : memref<128x128xf32, #tpu.memory_space<vmem>>, vector<1x16xf32>,
        %parallel_loop3A_394 = arith.index_cast %parallel_loop3A_304 : i32 to index
        %parallel_loop3A_395 = arith.constant 32 : index
        %parallel_loop3A_396 = tpu.vector_load %arg11[%parallel_loop3A_394, %parallel_loop3A_395] {strides = array<i32>} : memref<128x128xf32, #tpu.memory_space<vmem>>, vector<1x16xf32>,
        %parallel_loop3A_397 = vector.shape_cast %parallel_loop3A_396 : vector<1x16xf32> to vector<16xf32>
        %parallel_loop3A_398 = vector.shape_cast %parallel_loop3A_338 : vector<16xf32> to vector<1x16xf32>
        tpu.vector_store %arg11[%parallel_loop3A_394, %parallel_loop3A_395], %parallel_loop3A_398 {strides = array<i32>} : memref<128x128xf32, #tpu.memory_space<vmem>>, vector<1x16xf32>,
        %parallel_loop3A_399 = arith.index_cast %parallel_loop3A_304 : i32 to index
        %parallel_loop3A_400 = arith.constant 48 : index
        %parallel_loop3A_401 = tpu.vector_load %arg11[%parallel_loop3A_399, %parallel_loop3A_400] {strides = array<i32>} : memref<128x128xf32, #tpu.memory_space<vmem>>, vector<1x16xf32>,
        %parallel_loop3A_402 = vector.shape_cast %parallel_loop3A_401 : vector<1x16xf32> to vector<16xf32>
        %parallel_loop3A_403 = vector.shape_cast %parallel_loop3A_347 : vector<16xf32> to vector<1x16xf32>
        tpu.vector_store %arg11[%parallel_loop3A_399, %parallel_loop3A_400], %parallel_loop3A_403 {strides = array<i32>} : memref<128x128xf32, #tpu.memory_space<vmem>>, vector<1x16xf32>,
        %parallel_loop3A_404 = arith.index_cast %parallel_loop3A_304 : i32 to index
        %parallel_loop3A_405 = arith.constant 64 : index
        %parallel_loop3A_406 = tpu.vector_load %arg11[%parallel_loop3A_404, %parallel_loop3A_405] {strides = array<i32>} : memref<128x128xf32, #tpu.memory_space<vmem>>, vector<1x16xf32>,
        %parallel_loop3A_407 = vector.shape_cast %parallel_loop3A_406 : vector<1x16xf32> to vector<16xf32>
        %parallel_loop3A_408 = vector.shape_cast %parallel_loop3A_356 : vector<16xf32> to vector<1x16xf32>
        tpu.vector_store %arg11[%parallel_loop3A_404, %parallel_loop3A_405], %parallel_loop3A_408 {strides = array<i32>} : memref<128x128xf32, #tpu.memory_space<vmem>>, vector<1x16xf32>,
        %parallel_loop3A_409 = arith.index_cast %parallel_loop3A_304 : i32 to index
        %parallel_loop3A_410 = arith.constant 80 : index
        %parallel_loop3A_411 = tpu.vector_load %arg11[%parallel_loop3A_409, %parallel_loop3A_410] {strides = array<i32>} : memref<128x128xf32, #tpu.memory_space<vmem>>, vector<1x16xf32>,
        %parallel_loop3A_412 = vector.shape_cast %parallel_loop3A_411 : vector<1x16xf32> to vector<16xf32>
        %parallel_loop3A_413 = vector.shape_cast %parallel_loop3A_365 : vector<16xf32> to vector<1x16xf32>
        tpu.vector_store %arg11[%parallel_loop3A_409, %parallel_loop3A_410], %parallel_loop3A_413 {strides = array<i32>} : memref<128x128xf32, #tpu.memory_space<vmem>>, vector<1x16xf32>,
        %parallel_loop3A_414 = arith.index_cast %parallel_loop3A_304 : i32 to index
        %parallel_loop3A_415 = arith.constant 96 : index
        %parallel_loop3A_416 = tpu.vector_load %arg11[%parallel_loop3A_414, %parallel_loop3A_415] {strides = array<i32>} : memref<128x128xf32, #tpu.memory_space<vmem>>, vector<1x16xf32>,
        %parallel_loop3A_417 = vector.shape_cast %parallel_loop3A_416 : vector<1x16xf32> to vector<16xf32>
        %parallel_loop3A_418 = vector.shape_cast %parallel_loop3A_374 : vector<16xf32> to vector<1x16xf32>
        tpu.vector_store %arg11[%parallel_loop3A_414, %parallel_loop3A_415], %parallel_loop3A_418 {strides = array<i32>} : memref<128x128xf32, #tpu.memory_space<vmem>>, vector<1x16xf32>,
        %parallel_loop3A_419 = arith.index_cast %parallel_loop3A_304 : i32 to index
        %parallel_loop3A_420 = arith.constant 112 : index
        %parallel_loop3A_421 = tpu.vector_load %arg11[%parallel_loop3A_419, %parallel_loop3A_420] {strides = array<i32>} : memref<128x128xf32, #tpu.memory_space<vmem>>, vector<1x16xf32>,
        %parallel_loop3A_422 = vector.shape_cast %parallel_loop3A_421 : vector<1x16xf32> to vector<16xf32>
        %parallel_loop3A_423 = vector.shape_cast %parallel_loop3A_383 : vector<16xf32> to vector<1x16xf32>
        tpu.vector_store %arg11[%parallel_loop3A_419, %parallel_loop3A_420], %parallel_loop3A_423 {strides = array<i32>} : memref<128x128xf32, #tpu.memory_space<vmem>>, vector<1x16xf32>,
      } {sc.loop_unroll_factor = 4 : i64, sc.parallel_access}
      %add3A_297 = arith.addi %mul3A_2, %add3A_244 : i32
      %mul3A_298 = arith.constant 128 : i32
      %mul3A_299 = arith.muli %add3A_297, %mul3A_298 : i32
      %dma_start3A_300 = arith.constant 0 : i32
      %dma_start3A_301 = tpu.memref_slice %arg5[%mul3A_299, %dma_start3A_300] : memref<819200x128xf32, #tpu.memory_space<hbm>> -> memref<128x128xf32, #tpu.memory_space<hbm>>
      %dma_start3A_302 = arith.constant 0 : i32
      %dma_start3A_303 = tpu.memref_slice %arg5[%mul3A_299, %dma_start3A_302] : memref<819200x128xf32, #tpu.memory_space<hbm>> -> memref<128x128xf32, #tpu.memory_space<hbm>>
      tpu.enqueue_dma source(%arg11 : memref<128x128xf32, #tpu.memory_space<vmem>>) target(%dma_start3A_303 : memref<128x128xf32, #tpu.memory_space<hbm>>) target_semaphore(%arg23 : memref<!tpu.dma_semaphore, #tpu.memory_space<semaphore_mem>>)
    }
    %scan3A_46 = arith.constant 50 : i32
    %add3A_47 = arith.constant 198 : i32
    %add3A_48 = arith.addi %mul3A_2, %add3A_47 : i32
    %mul3A_49 = arith.constant 128 : i32
    %mul3A_50 = arith.muli %add3A_48, %mul3A_49 : i32
    %dma_wait3A = arith.constant 0 : i32
    %dma_wait3A_51 = tpu.memref_slice %arg5[%mul3A_50, %dma_wait3A] : memref<819200x128xf32, #tpu.memory_space<hbm>> -> memref<128x128xf32, #tpu.memory_space<hbm>>
    %dma_wait3A_52 = arith.constant 0 : i32
    %dma_wait3A_53 = tpu.memref_slice %arg5[%mul3A_50, %dma_wait3A_52] : memref<819200x128xf32, #tpu.memory_space<hbm>> -> memref<128x128xf32, #tpu.memory_space<hbm>>
    tpu.wait_dma2 semaphore(%arg22 : memref<!tpu.dma_semaphore, #tpu.memory_space<semaphore_mem>>) src(%arg10 : memref<128x128xf32, #tpu.memory_space<vmem>>) dst(%dma_wait3A_53 : memref<128x128xf32, #tpu.memory_space<hbm>>)
    %add3A_54 = arith.constant 199 : i32
    %add3A_55 = arith.addi %mul3A_2, %add3A_54 : i32
    %mul3A_56 = arith.constant 128 : i32
    %mul3A_57 = arith.muli %add3A_55, %mul3A_56 : i32
    %dma_wait3A_58 = arith.constant 0 : i32
    %dma_wait3A_59 = tpu.memref_slice %arg5[%mul3A_57, %dma_wait3A_58] : memref<819200x128xf32, #tpu.memory_space<hbm>> -> memref<128x128xf32, #tpu.memory_space<hbm>>
    %dma_wait3A_60 = arith.constant 0 : i32
    %dma_wait3A_61 = tpu.memref_slice %arg5[%mul3A_57, %dma_wait3A_60] : memref<819200x128xf32, #tpu.memory_space<hbm>> -> memref<128x128xf32, #tpu.memory_space<hbm>>
    tpu.wait_dma2 semaphore(%arg23 : memref<!tpu.dma_semaphore, #tpu.memory_space<semaphore_mem>>) src(%arg11 : memref<128x128xf32, #tpu.memory_space<vmem>>) dst(%dma_wait3A_61 : memref<128x128xf32, #tpu.memory_space<hbm>>)
    return
  }
}

</mosaic_0001>

<sc_bundles>
// kernel: kernel.3.cloned.1.call-start
scs
__scs_entry_jumppad:
0x0: {  	(pc) =	sbr.rel $0x88, $3  }
0x1: {  	(tag) =	ssettag $0x0;
	lr =	simm.s32 $0x1  }
0x2: {  	[smem:$0x3F9E] =	sst lr;
	_ =	strace $0xD0000000  }
0x3: {  	_ = 	snop  }
0x4: {  	_ = 	snop  }
0x5: {  	_ = 	snop  }
0x6: {  	_ = 	snop  }
0x7: {  	_ = 	snop  }
__scs_overlays_trampoline_lowered:
0x8: {  	[smem:$0x3FAD] =	sst s0  }
0x9: {  	[smem:$0x3FAE] =	sst s1  }
0xa: {  	[smem:$0x3FAF] =	sst s2  }
0xb: {  	[smem:$0x3FB0] =	sst s3  }
0xc: {  	[smem:$0x3FB1] =	sst s4  }
0xd: {  	[smem:$0x3FB2] =	sst s5  }
0xe: {  	[smem:$0x3FB3] =	sst s6  }
0xf: {  	[smem:$0x3FB4] =	sst s7  }
0x10: {  	[smem:$0x3FB5] =	sst s8  }
0x11: {  	[smem:$0x3FB6] =	sst s9;
	s0 =	simm.s32 @!p0 $0x0  }
0x12: {  	s1 =	sld [smem:$0x3F9C];
	s0 =	simm.s32 @p0 $0x1  }
0x13: {  	[smem:$0x3FB7] =	sst s0;
	s0 =	simm.s32 @!p1 $0x0  }
0x14: {  	s2 =	sld [smem:$0x3F9B];
	s0 =	simm.s32 @p1 $0x1  }
0x15: {  	[smem:$0x3FB8] =	sst s0;
	s0 =	simm.s32 @!p2 $0x0  }
0x16: {  	s3 =	sld [smem:$0x3FDB];
	s0 =	simm.s32 @p2 $0x1  }
0x17: {  	s4 =	simm.s32 $0x1BF5;
	[smem:$0x3FBA] =	sst s0  }
0x18: {  	s0 =	sld [smem:$0x3F9D];
	_ =	swait.ge [sflag:s4], $0x0  }
0x19: {  	s7 =	sld [smem:$0x3F9E]  }
0x1a: {  	s8 =	sadd.s32 $0xFFFFE003, lr  }
0x1b: {  	s9 =	sadd.s32 $0xFFFFFEF7, lr;
	s5 =	simm.s32 $0xFFFFFFFF;
	p2 =	slt.u32 s8, $0xFFFFF086  }
0x1c: {  	p1 =	slt.u32 s9, $0xF7A;
	s5 =	simm.s32 @!p2 $0x0  }
0x1d: {  	s5 =	simm.s32 @p1 $0x1;
	p0 =	seq.s32 s7, s2  }
0x1e: {  	s7 =	smul.u32 @!p0 $0xF7A, s2;
	p2 =	seq.s32 @!p0 s5, $0x0  }
0x1f: {  	s9 =	smul.u32 $0xF7A, s1;
	s8 =	simm.s32 @!p0 $0x1BF5;
	p2 =	por !p2, p0  }
0x20: {  	[sflag:s8] =	ssyncset.s32 @!p0 $0xFFFFF086;
	s6 =	sadd.s32 @!p0 s3, s7;
	s7 =	simm.s32 @!p0 $0x108  }
0x21: {  	s3 =	sadd.s32 s3, s9;
	s6 =	sadd.s32 @!p0 $0x88, s6;
	s7 =	simm.s32 @p2 $0x1082  }
0x22: {  	[simem:s7], [sflag:s8] =	dma.local @!p0 [hbm:s6], $0xF7A  }
0x23: {  	s9 =	sor.u32 $0xD0000000, s2;
	s6 =	simm.s32 $0x108;
	_ =	swait.ge @!p0 [sflag:s8], $0x0  }
0x24: {  	s3 =	sadd.s32 $0x88, s3;
	s6 =	simm.s32 @!p1 $0x1082;
	[sflag:s4] =	ssyncset.s32 $0xFFFFF086  }
0x25: {  	[simem:s6], [sflag:s4] =	dma.local [hbm:s3], $0xF7A  }
0x26: {  	[smem:$0x3F9E] =	sst s1;
	(tag) =	ssettag s2;
	_ =	strace s9  }
0x27: {  	s1 =	sld [smem:$0x3FAE]  }
0x28: {  	s2 =	sld [smem:$0x3FAF]  }
0x29: {  	s4 =	sld [smem:$0x3FB1]  }
0x2a: {  	p0 =	seq.s32 s5, $0x0;
	s5 =	sld [smem:$0x3FB2]  }
0x2b: {  	s6 =	sld [smem:$0x3FB3]  }
0x2c: {  	s7 =	sld [smem:$0x3FB4]  }
0x2d: {  	s3 =	simm.s32 $0x108;
	s8 =	sld [smem:$0x3FB5]  }
0x2e: {  	s3 =	simm.s32 @!p0 $0x1082;
	s9 =	sld [smem:$0x3FB6]  }
0x2f: {  	lr =	sadd.s32 s0, s3;
	s0 =	sld [smem:$0x3FAD]  }
0x30: {  	s3 =	sld [smem:$0x3FB0]  }
0x31: {  	[smem:$0x3FB9] =	sst s10  }
0x32: {  	s10 =	sld [smem:$0x3FB7];
	_ =	sdelay $0x3  }
0x33: {  	p0 =	seq.s32 s10, $0x1;
	s10 =	sld [smem:$0x3FB9];
	_ =	sdelay $0x3  }
0x34: {  	[smem:$0x3FB9] =	sst s10  }
0x35: {  	s10 =	sld [smem:$0x3FB8];
	_ =	sdelay $0x3  }
0x36: {  	p1 =	seq.s32 s10, $0x1;
	s10 =	sld [smem:$0x3FB9];
	_ =	sdelay $0x3  }
0x37: {  	[smem:$0x3FB9] =	sst s10  }
0x38: {  	s10 =	sld [smem:$0x3FBA]  }
0x39: {  	_ = 	snop;
	(pc) =	sbr.ind lr, $3  }
0x3a: {  	_ = 	snop  }
0x3b: {  	_ = 	snop  }
0x3c: {  	p2 =	seq.s32 s10, $0x1;
	s10 =	sld [smem:$0x3FB9]  }
0x3d: {  	_ =	shalt  }
0x3e: {  	_ =	shalt  }
0x3f: {  	_ =	shalt  }
0x40: {  	_ =	shalt  }
0x41: {  	_ =	shalt  }
0x42: {  	_ =	shalt  }
0x43: {  	_ =	shalt  }
0x44: {  	_ =	shalt  }
0x45: {  	_ =	shalt  }
0x46: {  	_ =	shalt  }
0x47: {  	_ =	shalt  }
0x48: {  	_ =	shalt  }
0x49: {  	_ =	shalt  }
0x4a: {  	_ =	shalt  }
0x4b: {  	_ =	shalt  }
0x4c: {  	_ =	shalt  }
0x4d: {  	_ =	shalt  }
0x4e: {  	_ =	shalt  }
0x4f: {  	_ =	shalt  }
0x50: {  	_ =	shalt  }
0x51: {  	_ =	shalt  }
0x52: {  	_ =	shalt  }
0x53: {  	_ =	shalt  }
0x54: {  	_ =	shalt  }
0x55: {  	_ =	shalt  }
0x56: {  	_ =	shalt  }
0x57: {  	_ =	shalt  }
0x58: {  	_ =	shalt  }
0x59: {  	_ =	shalt  }
0x5a: {  	_ =	shalt  }
0x5b: {  	_ =	shalt  }
0x5c: {  	_ =	shalt  }
0x5d: {  	_ =	shalt  }
0x5e: {  	_ =	shalt  }
0x5f: {  	_ =	shalt  }
0x60: {  	_ =	shalt  }
0x61: {  	_ =	shalt  }
0x62: {  	_ =	shalt  }
0x63: {  	_ =	shalt  }
0x64: {  	_ =	shalt  }
0x65: {  	_ =	shalt  }
0x66: {  	_ =	shalt  }
0x67: {  	_ =	shalt  }
0x68: {  	_ =	shalt  }
0x69: {  	_ =	shalt  }
0x6a: {  	_ =	shalt  }
0x6b: {  	_ =	shalt  }
0x6c: {  	_ =	shalt  }
0x6d: {  	_ =	shalt  }
0x6e: {  	_ =	shalt  }
0x6f: {  	_ =	shalt  }
0x70: {  	_ =	shalt  }
0x71: {  	_ =	shalt  }
0x72: {  	_ =	shalt  }
0x73: {  	_ =	shalt  }
0x74: {  	_ =	shalt  }
0x75: {  	_ =	shalt  }
0x76: {  	_ =	shalt  }
0x77: {  	_ =	shalt  }
0x78: {  	_ =	shalt  }
0x79: {  	_ =	shalt  }
0x7a: {  	_ =	shalt  }
0x7b: {  	_ =	shalt  }
0x7c: {  	_ =	shalt  }
0x7d: {  	_ =	shalt  }
0x7e: {  	_ =	shalt  }
0x7f: {  	_ =	shalt  }
0x80: {  	_ =	shalt  }
0x81: {  	_ =	shalt  }
0x82: {  	_ =	shalt  }
0x83: {  	_ =	shalt  }
0x84: {  	_ =	shalt  }
0x85: {  	_ =	shalt  }
0x86: {  	_ =	shalt  }
0x87: {  	_ =	shalt  }
.Lfunc_end0:
.L_simem_size_0:
called_computation_lowered:
.L_overlay_start_0:
0x88: {  	s2 =	sld [smem:$0x3FD9]  }
0x89: {  	s3 =	sld [smem:$0x3FFE];
	_ =	sdelay $0x1  }
0x8a: {  	s1 =	srdreg.scid  }
0x8b: {  	s0 =	sand.u32 $0x1, s1  }
0x8c: {  	s17 =	sshll.u32 s0, $0xA;
	s2 =	sadd.s32 s3, s2  }
0x8d: {  	s2 =	sadd.s32 s2, s17  }
0x8e: {  	[smem:$0x3FC5] =	sst s2  }
0x8f: {  	_ = 	snop  }
0x90: {  	s2 =	sld [smem:$0x3FC8]  }
0x91: {  	s18 =	sld [smem:$0x3FC7]  }
0x92: {  	s4 =	sld [smem:$0x3FD0];
	(tm) =	ssettm $0x1  }
0x93: {  	s5 =	sld [smem:$0x3FFB];
	_ =	sdelay $0x3  }
0x94: {  	_ =	strace s5  }
0x95: {  	s5 =	sld [smem:$0x3FFC];
	_ =	sdelay $0x3  }
0x96: {  	_ =	strace s5  }
0x97: {  	s5 =	sld [smem:$0x3FFD];
	_ =	sdelay $0x3  }
0x98: {  	_ =	strace s5  }
0x99: {  	_ =	strace $0x8FFFFFFF  }
0x9a: {  	s19 =	sld [smem:$0x3FDB];
	_ =	sdelay $0x1  }
0x9b: {  	s6 =	simm.s32 $_scs_section_size  }
0x9c: {  	s7 =	simm.s32 $_size__tile_overlayer_lowered;
	s8 =	simm.s32 $_tile_overlayer_lowered  }
0x9d: {  	s22 =	simm.s32 $0x1BFF;
	s21 =	sshll.u32 s8, $0x1;
	s5 =	sadd.s32 s6, s19  }
0x9e: {  	s9 =	simm.s32 $0x0;
	s20 =	sshll.u32 s7, $0x1;
	s7 =	sadd.s32 s21, s5  }
0x9f: {  	[timem:s9], [sflag:s22] =	dma.local [hbm:s7], s20  }
0xa0: {  	_ =	swait.ge [sflag:s22], s20  }
0xa1: {  	s6 =	ssub.s32 $0x0, s20;
	[sflag:s22] =	ssyncset.done $0x0  }
0xa2: {  	[sflag:s22] =	ssyncadd.s32 s6;
	_ =	sdelay $0x1  }
0xa3: {  	s23 =	simm.s32 $0x1B8B  }
0xa4: {  	_ =	swait.ge [sflag:s23], $0x1  }
0xa5: {  	[sflag:s23] =	ssyncset.done $0x0  }
0xa6: {  	s25 =	simm.s32 $0x1B8E;
	s24 =	sld [smem:$0x3FFE];
	[sflag:s23] =	ssyncadd.s32 $0xFFFFFFFF  }
0xa7: {  	s26 =	simm.s32 $execute0_lowered;
	[smem:$0x3FD2] =	sst s25  }
0xa8: {  	s7 =	sshll.u32 s26, $0x1;
	_ =	strace $0x80000046;
	[dreg:$0x1] =	wrdreg $0xFFFFFFFF  }
0xa9: {  	s28 =	simm.s32 $_size_execute0_lowered;
	s5 =	sadd.s32 s5, s7;
	[dreg:$0x0] =	wrdreg $0x0  }
0xaa: {  	s7 =	sshll.u32 s28, $0x1;
	[dreg:$0x2] =	wrdreg s5  }
0xab: {  	[dreg:$0x3] =	wrdreg s7  }
0xac: {  	[dreg:$0x4] =	wrdreg $0xC0  }
0xad: {  	_ =	task [dreg:s9], $0x5FFFF  }
0xae: {  	[dreg:$0x1] =	wrdreg $0xFFFFFFFF  }
0xaf: {  	[dreg:$0x0] =	wrdreg $0x60  }
0xb0: {  	[dreg:$0x2] =	wrdreg s24  }
0xb1: {  	[dreg:$0x3] =	wrdreg s2  }
0xb2: {  	[dreg:$0x4] =	wrdreg s18  }
0xb3: {  	[dreg:$0x5] =	wrdreg s4  }
0xb4: {  	[dreg:$0x6] =	wrdreg $0x9  }
0xb5: {  	_ =	task.clear_ibuf [dreg:s9], $0x7FFFF;
	_ =	strace $0x90000046  }
0xb6: {  	s29 =	simm.s32 $0x9;
	_ =	strace $0x80000048  }
0xb7: {  	_ =	swait.ge [sflag:s29], $0x1  }
0xb8: {  	[sflag:s29] =	ssyncadd.s32 $0xFFFFFFFF  }
0xb9: {  	_ =	strace $0x90000048  }
0xba: {  	_ =	sfence  }
0xbb: {  	s30 =	sld [smem:$0x0];
	_ =	sdelay $0x2  }
0xbc: {  	s31 =	sshll.u32 s1, $0xD;
	s1 =	sshrl.u32 s1, $0x2  }
0xbd: {  	s3 =	sand.u32 $0x4000, s31;
	s1 =	sadd.s32 s1, s30  }
0xbe: {  	s0 =	sor.u32 s3, s0;
	s1 =	sshll.u32 s1, $0x11  }
0xbf: {  	s0 =	sor.u32 s1, s0  }
0xc0: {  	s0 =	sadd.s32 $0x8F2B, s0  }
0xc1: {  	[sflag:s0] =	ssyncadd.remote.s32 $0x1  }
0xc2: {  	_ =	sfence.sel $0xFFFF  }
0xc3: {  	[dreg:$0x0] =	wrdreg $0xFFFFFFFF;
	(pc) =	sbr.abs _section_cstart, $3  }
0xc4: {  	[dreg:$0x1] =	wrdreg $0xFFFFFFFF  }
0xc5: {  	_ =	task.clear_ibuf [dreg:s9], $0x2FFFF;
	_ =	strace $0x9FFFFFFF  }
0xc6: {  	(tm) =	ssettm $0x7FFFFFFF  }
0xc7: {  	_ =	shalt  }
tec
execute0_lowered:
.L_overlay_start_1:
0x0: {  	(tag) =	ssettag $0x1  }
0x1: {  	s0 =	rddreg [dreg:$0x0]  }
0x2: {  	s2 =	srdreg.scid;
	s1 =	rddreg [dreg:$0x1]  }
0x3: {  	s10 =	stileid.u32;
	s4 =	rddreg [dreg:$0x3]  }
0x4: {  	s5 =	simm.s32 $0x0;
	s15 =	simm.s32 $0x40;
	s24 =	smul.u32 $0x190, s10  }
0x5: {  	s2 =	sand.u32 $0x1, s2;
	s3 =	sshll.u32 s10, $0x1;
	s10 =	smul.u32 $0xC800, s10  }
0x6: {  	s31 =	simm.s32 $0x5;
	s13 =	simm.s32 $0x8;
	s9 =	smul.u32 $0xC8, s2  }
0x7: {  	s3 =	sor.u32 s2, s3;
	s8 =	ssub.s32 $0x2, s2;
	s2 =	smul.u32 $0x6400, s2  }
0x8: {  	s17 =	simm.s32 $0xA;
	[smem:$0x7FF] =	sst s5;
	s7 =	smul.u32 $0xC80, s3  }
0x9: {  	_ =	strace $0x80000047;
	s6 =	smul.u32 $0xC8, s3;
	s25 =	sshrl.u32 s8, $0x1  }
0xa: {  	s3 =	sadd.s32 s9, s24;
	s2 =	sadd.s32 s2, s10;
	s0 =	sadd.s32 s7, s0  }
0xb: {  	s7 =	ssub.s32 s8, s25;
	[dreg:$0x7] =	wrdreg s2;
	s0 =	sadd.s32 $0x400, s0  }
0xc: {  	s28 =	sshll.u32 s3, $0x7;
	s26 =	smax.u32 s7, $0x1;
	[dreg:$0x5] =	wrdreg s0  }
0xd: {  	s9 =	simm.s32 $0x0;
	s29 =	sor.u32 $0x80, s28;
	[dreg:$0x6] =	wrdreg s26  }
0xe: {  	s2 =	simm.s32 $0x6;
	s30 =	sor.u32 $0x100, s28;
	[dreg:$0x8] =	wrdreg s29  }
0xf: {  	s3 =	simm.s32 $0x7;
	[dreg:$0x9] =	wrdreg s30;
	s0 =	sor.u32 $0x180, s28  }
0x10: {  	s26 =	simm.s32 $0x14800;
	[dreg:$0xa] =	wrdreg s0;
	s0 =	simm.s32 $0x9  }
.LBB2_1:
0x11: {  	[dreg:$0xb] =	wrdreg s9  }
0x12: {  	s7 =	rddreg [dreg:$0x2];
	s8 =	simm.s32 $0x6400;
	s21 =	simm.s32 $0xD  }
0x13: {  	[tilespmem:s8], [sflag:$0xD] =	stream.linear.gather [hbm4b:s7+s5], $0x6400, $0x38;
	[tilespmem:$0x1C800] =	vst v63  }
0x14: {  	_ =	swait.ge [sflag:s21], $0x6400  }
0x15: {  	[sflag:s21] =	ssyncset.done $0x0  }
0x16: {  	s22 =	rddreg [dreg:$0x5];
	[sflag:s21] =	ssyncadd.s32 $0xFFFF9C00  }
0x17: {  	[tilespmem:s5], [sflag:$0xD] =	stream.linear.gather [hbm4b:s22+s5], $0x6400, $0x38;
	[tilespmem:$0x1C800] =	vst v63  }
0x18: {  	_ =	swait.ge [sflag:s21], $0x6400  }
0x19: {  	[sflag:s21] =	ssyncset.done $0x0  }
0x1a: {  	s23 =	simm.s32 $0xC800;
	s12 =	rddreg [dreg:$0xa];
	[sflag:s21] =	ssyncadd.s32 $0xFFFF9C00  }
0x1b: {  	[tilespmem:s23], [sflag:$0x1] =	stream.indirect.gather [hbm4b:s1+s15], $0x80, s5, s15, $0xb8;
	[tilespmem:$0x1C800] =	vst v63  }
0x1c: {  	s24 =	simm.s32 $0xE800;
	s25 =	simm.s32 $0x80;
	s11 =	rddreg [dreg:$0x9]  }
0x1d: {  	[tilespmem:s24], [sflag:$0x2] =	stream.indirect.gather [hbm4b:s1+s15], $0x80, s15, s15, $0xb8;
	[tilespmem:$0x1C800] =	vst v63  }
0x1e: {  	s28 =	simm.s32 $0x10800;
	s29 =	simm.s32 $0xC0;
	s10 =	rddreg [dreg:$0x8]  }
0x1f: {  	[tilespmem:s28], [sflag:$0x3] =	stream.indirect.gather [hbm4b:s1+s15], $0x80, s25, s15, $0xb8;
	[tilespmem:$0x1C800] =	vst v63  }
0x20: {  	s30 =	simm.s32 $0x12800;
	s8 =	simm.s32 $0x0;
	s9 =	rddreg [dreg:$0x7]  }
0x21: {  	[tilespmem:s30], [sflag:$0x4] =	stream.indirect.gather [hbm4b:s1+s15], $0x80, s29, s15, $0xb8;
	[tilespmem:$0x1C800] =	vst v63  }
.LBB2_2:
0x22: {  	s7 =	simm.s32 $0x1  }
0x23: {  	s28 =	smulhi.u32 $0x51EB851F, s9;
	_ =	swait.ge [sflag:s7], $0x2000  }
0x24: {  	[sflag:s7] =	ssyncset.done $0x0  }
0x25: {  	s14 =	simm.s32 $0x2;
	[sflag:s7] =	ssyncadd.s32 $0xFFFFE000;
	s7 =	sshrl.u32 s28, $0x6  }
0x26: {  	s25 =	sshll.u32 s8, $0x2;
	_ =	swait.ge [sflag:s14], $0x2000;
	s7 =	smul.u32 $0xC8, s7  }
0x27: {  	p0 =	seq.s32 s8, $0x0;
	s20 =	sor.u32 $0x2, s25;
	[sflag:s14] =	ssyncset.done $0x0  }
0x28: {  	[sflag:s14] =	ssyncadd.s32 $0xFFFFE000;
	s14 =	simm.s32 @!p0 $0xB;
	s30 =	ssub.s32 s9, s7  }
0x29: {  	s16 =	sshll.u32 s20, $0x7;
	_ =	swait.ge @!p0 [sflag:s14], $0x4000;
	s19 =	sadd.s32 $0xFFFFFFFC, s30  }
0x2a: {  	s29 =	sand.u32 $0x3FFFFF80, s16;
	[sflag:s14] =	ssyncset.done @!p0 $0x0;
	s21 =	sadd.s32 $0x7, s19  }
0x2b: {  	[sflag:s14] =	ssyncadd.s32 @!p0 $0xFFFFC000;
	p1 =	slt.u32 s21, $0xC8;
	s14 =	simm.s32 $0x0  }
0x2c: {  	[tilespmem:s26], [sflag:$0x5] =	stream.indirect.gather [hbm4b:s1+s15], $0x80, s29, s15, $0xb8;
	[tilespmem:$0x1C800] =	vst v63  }
0x2d: {  	s14 =	simm.s32 @!p1 $0x7FFF38  }
0x2e: {  	s18 =	simm.s32 $0x16800;
	s16 =	sor.u32 $0x40, s29;
	s14 =	sadd.s32 s14, s19  }
0x2f: {  	[tilespmem:s18], [sflag:$0x6] =	stream.indirect.gather [hbm4b:s1+s15], $0x80, s16, s15, $0xb8;
	[tilespmem:$0x1C800] =	vst v63  }
0x30: {  	s22 =	sshll.u32 s14, $0x9;
	s14 =	simm.s32 $0xC900  }
0x31: {  	v12 =	vld [tilespmem:s14+$0xF0]  }
0x32: {  	v33 =	vld [tilespmem:s14+$0xFFFFFF00]  }
0x33: {  	v34 =	vld [tilespmem:s14+$0xFFFFFF10]  }
0x34: {  	v35 =	vld [tilespmem:s14+$0xFFFFFF20]  }
0x35: {  	v36 =	vld [tilespmem:s14+$0xFFFFFF30]  }
0x36: {  	v37 =	vld [tilespmem:s14+$0xFFFFFF40]  }
0x37: {  	v61 =	vld [tilespmem:s14+$0xFFFFFF60]  }
0x38: {  	s16 =	sadd.s32 $0xE00, s22;
	v62 =	vld [tilespmem:s14+$0x0]  }
0x39: {  	v63 =	vld [tilespmem:s14+$0x20];
	s16 =	sshra.s32 s16, $0x2  }
0x3a: {  	v13 =	vld [tilespmem:s16+$0x6470]  }
0x3b: {  	s18 =	sadd.s32 $0x4, s19;
	v5 =	vld [tilespmem:s16+$0x6400]  }
0x3c: {  	p1 =	slt.u32 s18, $0xC8;
	s18 =	simm.s32 $0x0;
	v6 =	vld [tilespmem:s16+$0x6410]  }
0x3d: {  	s18 =	simm.s32 @!p1 $0x7FFF38;
	v4 =	vld [tilespmem:s16+$0x6420]  }
0x3e: {  	s18 =	sadd.s32 s18, s19;
	v3 =	vld [tilespmem:s16+$0x6430]  }
0x3f: {  	v2 =	vld [tilespmem:s16+$0x6440];
	s18 =	sshll.u32 s18, $0x9  }
0x40: {  	v1 =	vld [tilespmem:s16+$0x6450];
	s18 =	sadd.s32 $0x800, s18  }
0x41: {  	v0 =	vld [tilespmem:s16+$0x6460];
	s18 =	sshra.s32 s18, $0x2  }
0x42: {  	v14 =	vld [tilespmem:s18+$0x6400]  }
0x43: {  	v15 =	vld [tilespmem:s18+$0x6410]  }
0x44: {  	s23 =	sadd.s32 $0x5, s19;
	v16 =	vld [tilespmem:s18+$0x6420]  }
0x45: {  	p1 =	slt.u32 s23, $0xC8;
	s16 =	simm.s32 $0x0;
	v17 =	vld [tilespmem:s18+$0x6430]  }
0x46: {  	s16 =	simm.s32 @!p1 $0x7FFF38;
	v18 =	vld [tilespmem:s18+$0x6440]  }
0x47: {  	s16 =	sadd.s32 s16, s19;
	v19 =	vld [tilespmem:s18+$0x6450]  }
0x48: {  	s16 =	sshll.u32 s16, $0x9;
	v20 =	vld [tilespmem:s18+$0x6460]  }
0x49: {  	s16 =	sadd.s32 $0xA00, s16;
	v21 =	vld [tilespmem:s18+$0x6470]  }
0x4a: {  	s16 =	sshra.s32 s16, $0x2;
	v12 =	vadd.f32 v13, v12;
	v13 =	vld [tilespmem:s14+$0xFFFFFF50]  }
0x4b: {  	v22 =	vld [tilespmem:s16+$0x6400]  }
0x4c: {  	v23 =	vld [tilespmem:s16+$0x6410]  }
0x4d: {  	s24 =	sadd.s32 $0x6, s19;
	v24 =	vld [tilespmem:s16+$0x6420]  }
0x4e: {  	p1 =	slt.u32 s24, $0xC8;
	s18 =	simm.s32 $0x0;
	v25 =	vld [tilespmem:s16+$0x6430]  }
0x4f: {  	s18 =	simm.s32 @!p1 $0x7FFF38;
	v26 =	vld [tilespmem:s16+$0x6440]  }
0x50: {  	s7 =	sadd.s32 s18, s19;
	v27 =	vld [tilespmem:s16+$0x6450]  }
0x51: {  	v28 =	vld [tilespmem:s16+$0x6460];
	s7 =	sshll.u32 s7, $0x9  }
0x52: {  	v29 =	vld [tilespmem:s16+$0x6470];
	s7 =	sadd.s32 $0xC00, s7  }
0x53: {  	[tilespmem:s14+$0xF0] =	vst v12;
	s7 =	sshra.s32 s7, $0x2;
	v12 =	vadd.f32 v15, v34;
	v15 =	vld [tilespmem:s14+$0xFFFFFF70]  }
0x54: {  	v30 =	vld [tilespmem:s7+$0x6400]  }
0x55: {  	v31 =	vld [tilespmem:s7+$0x6410]  }
0x56: {  	v32 =	vld [tilespmem:s7+$0x6420]  }
0x57: {  	v14 =	vadd.f32 v14, v33;
	v11 =	vld [tilespmem:s7+$0x6430]  }
0x58: {  	v10 =	vld [tilespmem:s7+$0x6440]  }
0x59: {  	v16 =	vadd.f32 v16, v35;
	v9 =	vld [tilespmem:s7+$0x6450];
	[tilespmem:s14+$0xFFFFFF00] =	vst v14  }
0x5a: {  	v17 =	vadd.f32 v17, v36;
	v14 =	vld [tilespmem:s14+$0xFFFFFF80];
	[tilespmem:s14+$0xFFFFFF10] =	vst v12  }
0x5b: {  	v13 =	vadd.f32 v19, v13;
	v12 =	vld [tilespmem:s14+$0xFFFFFF90];
	[tilespmem:s14+$0xFFFFFF20] =	vst v16  }
0x5c: {  	v18 =	vadd.f32 v18, v37;
	v16 =	vld [tilespmem:s14+$0xFFFFFFA0];
	[tilespmem:s14+$0xFFFFFF30] =	vst v17  }
0x5d: {  	v19 =	vadd.f32 v20, v61;
	[tilespmem:s14+$0xFFFFFF50] =	vst v13;
	v13 =	vld [tilespmem:s14+$0xFFFFFFD0]  }
0x5e: {  	v17 =	vld [tilespmem:s14+$0xFFFFFFB0];
	[tilespmem:s14+$0xFFFFFF40] =	vst v18;
	v15 =	vadd.f32 v21, v15  }
0x5f: {  	v18 =	vld [tilespmem:s14+$0xFFFFFFC0];
	[tilespmem:s14+$0xFFFFFF60] =	vst v19;
	v14 =	vadd.f32 v22, v14  }
0x60: {  	v19 =	vld [tilespmem:s14+$0xFFFFFFE0];
	[tilespmem:s14+$0xFFFFFF70] =	vst v15;
	v12 =	vadd.f32 v23, v12  }
0x61: {  	v8 =	vld [tilespmem:s7+$0x6460];
	v15 =	vadd.f32 v24, v16;
	[tilespmem:s14+$0xFFFFFF80] =	vst v14  }
0x62: {  	s28 =	smulhi.u32 $0x51EB851F, s11;
	v20 =	vld [tilespmem:s14+$0xFFFFFFF0];
	v13 =	vadd.f32 v27, v13;
	[tilespmem:s14+$0xFFFFFF90] =	vst v12  }
0x63: {  	s29 =	smulhi.u32 $0x51EB851F, s10;
	v7 =	vld [tilespmem:s7+$0x6470];
	v14 =	vadd.f32 v25, v17;
	[tilespmem:s14+$0xFFFFFFA0] =	vst v15  }
0x64: {  	s26 =	smulhi.u32 $0x51EB851F, s12;
	s16 =	sshrl.u32 s28, $0x6;
	v17 =	vld [tilespmem:s14+$0x10];
	v12 =	vadd.f32 v26, v18;
	[tilespmem:s14+$0xFFFFFFD0] =	vst v13  }
0x65: {  	s18 =	sshrl.u32 s29, $0x6;
	s16 =	smul.u32 $0xC8, s16;
	v16 =	vld [tilespmem:s14+$0x30];
	v18 =	vadd.f32 v28, v19;
	[tilespmem:s14+$0xFFFFFFB0] =	vst v14  }
0x66: {  	s19 =	smul.u32 $0xC8, s18;
	s7 =	sshrl.u32 s26, $0x6;
	v15 =	vld [tilespmem:s14+$0x40];
	v19 =	vadd.f32 v30, v62;
	[tilespmem:s14+$0xFFFFFFC0] =	vst v12  }
0x67: {  	s7 =	smul.u32 $0xC8, s7;
	v13 =	vld [tilespmem:s14+$0x60];
	v12 =	vadd.f32 v29, v20;
	[tilespmem:s14+$0xFFFFFFE0] =	vst v18  }
0x68: {  	s24 =	simm.s32 $0x0;
	s18 =	ssub.s32 s9, s16;
	s21 =	ssub.s32 s9, s19;
	v14 =	vld [tilespmem:s14+$0x50];
	[tilespmem:s14+$0x0] =	vst v19  }
0x69: {  	s16 =	sadd.s32 s6, s25;
	s19 =	simm.s32 $0xC900;
	s7 =	ssub.s32 s9, s7;
	[tilespmem:s14+$0xFFFFFFF0] =	vst v12;
	v12 =	vld [tilespmem:s14+$0x70];
	v18 =	vadd.f32 v31, v17;
	v17 =	vadd.f32 v32, v63  }
.LBB2_3:
0x6a: {  	s29 =	sadd.s32 s24, s30  }
0x6b: {  	s24 =	sadd.s32 $0x4, s24;
	s22 =	sadd.s32 $0x4, s29  }
0x6c: {  	v11 =	vadd.f32 v11, v16;
	[tilespmem:s14+$0x10] =	vst v18;
	v16 =	vld [tilespmem:s14+$0x80];
	s23 =	sadd.s32 $0x7, s29;
	p1 =	slt.u32 s24, $0x7C;
	s26 =	sadd.s32 $0x5, s29  }
0x6d: {  	v10 =	vadd.f32 v10, v15;
	[tilespmem:s14+$0x20] =	vst v17;
	v15 =	vld [tilespmem:s14+$0x90];
	s28 =	sadd.s32 $0x6, s29;
	p3 =	slt.u32 s23, $0xC8;
	p4 =	slt.u32 s22, $0xC8  }
0x6e: {  	v9 =	vadd.f32 v9, v14;
	[tilespmem:s14+$0x30] =	vst v11;
	v11 =	vld [tilespmem:s14+$0xA0];
	p2 =	slt.u32 s26, $0xC8;
	s22 =	simm.s32 $0x0;
	s23 =	simm.s32 $0x0  }
0x6f: {  	s26 =	simm.s32 $0x0;
	s22 =	simm.s32 @!p3 $0x7FFF38;
	v8 =	vadd.f32 v8, v13;
	[tilespmem:s14+$0x40] =	vst v10;
	v10 =	vld [tilespmem:s14+$0xB0];
	s23 =	simm.s32 @!p4 $0x7FFF38  }
0x70: {  	p3 =	slt.u32 s28, $0xC8;
	s28 =	simm.s32 $0x0;
	s22 =	sadd.s32 s22, s29;
	v7 =	vadd.f32 v7, v12;
	[tilespmem:s14+$0x50] =	vst v9;
	v9 =	vld [tilespmem:s14+$0xC0]  }
0x71: {  	s26 =	simm.s32 @!p2 $0x7FFF38;
	s28 =	simm.s32 @!p3 $0x7FFF38;
	s22 =	sshll.u32 s22, $0x9;
	[tilespmem:s14+$0x60] =	vst v8;
	v5 =	vadd.f32 v5, v16;
	v8 =	vld [tilespmem:s14+$0xD0]  }
0x72: {  	s23 =	sadd.s32 s23, s29;
	s14 =	sadd.s32 $0x200, s14;
	s22 =	sadd.s32 $0xE00, s22;
	[tilespmem:s19+$0x70] =	vst v7;
	v6 =	vadd.f32 v6, v15;
	v7 =	vld [tilespmem:s19+$0xE0]  }
0x73: {  	s26 =	sadd.s32 s26, s29;
	s28 =	sadd.s32 s28, s29;
	s22 =	sshra.s32 s22, $0x2;
	v12 =	vld [tilespmem:s14+$0xF0];
	v4 =	vadd.f32 v4, v11;
	[tilespmem:s19+$0x80] =	vst v5  }
0x74: {  	s23 =	sshll.u32 s23, $0x9;
	s26 =	sshll.u32 s26, $0x9;
	s28 =	sshll.u32 s28, $0x9;
	v11 =	vld [tilespmem:s22+$0x6470];
	v3 =	vadd.f32 v3, v10;
	[tilespmem:s19+$0x90] =	vst v6  }
0x75: {  	s23 =	sadd.s32 $0x800, s23;
	s26 =	sadd.s32 $0xA00, s26;
	s28 =	sadd.s32 $0xC00, s28;
	v5 =	vld [tilespmem:s22+$0x6400];
	v2 =	vadd.f32 v2, v9;
	[tilespmem:s19+$0xA0] =	vst v4  }
0x76: {  	s23 =	sshra.s32 s23, $0x2;
	s26 =	sshra.s32 s26, $0x2;
	s29 =	sshra.s32 s28, $0x2;
	v6 =	vld [tilespmem:s22+$0x6410];
	v1 =	vadd.f32 v1, v8;
	[tilespmem:s19+$0xB0] =	vst v3  }
0x77: {  	v4 =	vld [tilespmem:s22+$0x6420];
	v0 =	vadd.f32 v0, v7;
	[tilespmem:s19+$0xC0] =	vst v2  }
0x78: {  	v3 =	vld [tilespmem:s22+$0x6430];
	[tilespmem:s19+$0xD0] =	vst v1  }
0x79: {  	v2 =	vld [tilespmem:s22+$0x6440];
	v7 =	vadd.f32 v11, v12;
	[tilespmem:s19+$0xE0] =	vst v0;
	s19 =	smov.u32 s14  }
0x7a: {  	v1 =	vld [tilespmem:s22+$0x6450]  }
0x7b: {  	v0 =	vld [tilespmem:s22+$0x6460];
	[tilespmem:s14+$0xF0] =	vst v7  }
0x7c: {  	v12 =	vld [tilespmem:s23+$0x6400]  }
0x7d: {  	v13 =	vld [tilespmem:s23+$0x6410]  }
0x7e: {  	v14 =	vld [tilespmem:s23+$0x6420]  }
0x7f: {  	v15 =	vld [tilespmem:s23+$0x6430]  }
0x80: {  	v16 =	vld [tilespmem:s23+$0x6440]  }
0x81: {  	v17 =	vld [tilespmem:s23+$0x6450]  }
0x82: {  	v18 =	vld [tilespmem:s23+$0x6460]  }
0x83: {  	v19 =	vld [tilespmem:s23+$0x6470]  }
0x84: {  	v20 =	vld [tilespmem:s26+$0x6400]  }
0x85: {  	v21 =	vld [tilespmem:s26+$0x6410]  }
0x86: {  	v22 =	vld [tilespmem:s26+$0x6420]  }
0x87: {  	v23 =	vld [tilespmem:s26+$0x6430]  }
0x88: {  	v24 =	vld [tilespmem:s26+$0x6440]  }
0x89: {  	v25 =	vld [tilespmem:s26+$0x6450]  }
0x8a: {  	v26 =	vld [tilespmem:s26+$0x6460]  }
0x8b: {  	v27 =	vld [tilespmem:s26+$0x6470]  }
0x8c: {  	v28 =	vld [tilespmem:s29+$0x6400]  }
0x8d: {  	v29 =	vld [tilespmem:s29+$0x6410]  }
0x8e: {  	v30 =	vld [tilespmem:s29+$0x6420]  }
0x8f: {  	v11 =	vld [tilespmem:s29+$0x6430]  }
0x90: {  	v10 =	vld [tilespmem:s29+$0x6440]  }
0x91: {  	v9 =	vld [tilespmem:s29+$0x6450]  }
0x92: {  	v8 =	vld [tilespmem:s29+$0x6460]  }
0x93: {  	v7 =	vld [tilespmem:s29+$0x6470]  }
0x94: {  	v31 =	vld [tilespmem:s14+$0xFFFFFF00]  }
0x95: {  	v32 =	vld [tilespmem:s14+$0xFFFFFF10]  }
0x96: {  	v33 =	vld [tilespmem:s14+$0xFFFFFF20]  }
0x97: {  	v34 =	vld [tilespmem:s14+$0xFFFFFF30]  }
0x98: {  	v35 =	vld [tilespmem:s14+$0xFFFFFF40]  }
0x99: {  	v12 =	vadd.f32 v12, v31;
	v31 =	vld [tilespmem:s14+$0xFFFFFF50]  }
0x9a: {  	v13 =	vadd.f32 v13, v32;
	v32 =	vld [tilespmem:s14+$0xFFFFFF60]  }
0x9b: {  	v14 =	vadd.f32 v14, v33;
	v33 =	vld [tilespmem:s14+$0xFFFFFF70];
	[tilespmem:s14+$0xFFFFFF00] =	vst v12  }
0x9c: {  	v12 =	vadd.f32 v15, v34;
	[tilespmem:s14+$0xFFFFFF10] =	vst v13;
	v13 =	vld [tilespmem:s14+$0xFFFFFF80]  }
0x9d: {  	v15 =	vadd.f32 v16, v35;
	[tilespmem:s14+$0xFFFFFF20] =	vst v14;
	v14 =	vld [tilespmem:s14+$0xFFFFFF90]  }
0x9e: {  	v16 =	vadd.f32 v17, v31;
	[tilespmem:s14+$0xFFFFFF30] =	vst v12;
	v12 =	vld [tilespmem:s14+$0xFFFFFFA0]  }
0x9f: {  	v17 =	vadd.f32 v18, v32;
	[tilespmem:s14+$0xFFFFFF40] =	vst v15;
	v15 =	vld [tilespmem:s14+$0xFFFFFFB0]  }
0xa0: {  	v18 =	vadd.f32 v19, v33;
	[tilespmem:s14+$0xFFFFFF50] =	vst v16;
	v16 =	vld [tilespmem:s14+$0xFFFFFFC0]  }
0xa1: {  	[tilespmem:s14+$0xFFFFFF60] =	vst v17;
	v13 =	vadd.f32 v20, v13;
	v17 =	vld [tilespmem:s14+$0xFFFFFFD0]  }
0xa2: {  	[tilespmem:s14+$0xFFFFFF70] =	vst v18;
	v14 =	vadd.f32 v21, v14;
	v18 =	vld [tilespmem:s14+$0xFFFFFFE0]  }
0xa3: {  	v12 =	vadd.f32 v22, v12;
	v19 =	vld [tilespmem:s14+$0xFFFFFFF0];
	[tilespmem:s14+$0xFFFFFF80] =	vst v13  }
0xa4: {  	v13 =	vadd.f32 v23, v15;
	[tilespmem:s14+$0xFFFFFF90] =	vst v14;
	v14 =	vld [tilespmem:s14+$0x0]  }
0xa5: {  	v15 =	vadd.f32 v24, v16;
	[tilespmem:s14+$0xFFFFFFA0] =	vst v12;
	v12 =	vld [tilespmem:s14+$0x10]  }
0xa6: {  	v17 =	vadd.f32 v25, v17;
	[tilespmem:s14+$0xFFFFFFB0] =	vst v13;
	v20 =	vld [tilespmem:s14+$0x20]  }
.Ltmp0:
0xa7: {  	v13 =	vadd.f32 v26, v18;
	[tilespmem:s14+$0xFFFFFFC0] =	vst v15;
	v16 =	vld [tilespmem:s14+$0x30];
	(pc) =	sbr.rel @p1 .LBB2_3-.Ltmp0, $4  }
0xa8: {  	v18 =	vadd.f32 v27, v19;
	[tilespmem:s14+$0xFFFFFFD0] =	vst v17;
	v15 =	vld [tilespmem:s14+$0x40]  }
0xa9: {  	[tilespmem:s14+$0xFFFFFFE0] =	vst v13;
	v19 =	vadd.f32 v28, v14;
	v14 =	vld [tilespmem:s14+$0x50]  }
0xaa: {  	[tilespmem:s14+$0xFFFFFFF0] =	vst v18;
	v18 =	vadd.f32 v29, v12;
	v13 =	vld [tilespmem:s14+$0x60]  }
0xab: {  	v17 =	vadd.f32 v30, v20;
	v12 =	vld [tilespmem:s14+$0x70];
	[tilespmem:s14+$0x0] =	vst v19  }
0xac: {  	v11 =	vadd.f32 v11, v16;
	[tilespmem:s14+$0x10] =	vst v18;
	v16 =	vld [tilespmem:s14+$0x80]  }
0xad: {  	v10 =	vadd.f32 v10, v15;
	[tilespmem:s14+$0x20] =	vst v17;
	v15 =	vld [tilespmem:s14+$0x90]  }
0xae: {  	v9 =	vadd.f32 v9, v14;
	[tilespmem:s14+$0x30] =	vst v11;
	v11 =	vld [tilespmem:s14+$0xA0]  }
0xaf: {  	v8 =	vadd.f32 v8, v13;
	[tilespmem:s14+$0x40] =	vst v10;
	v10 =	vld [tilespmem:s14+$0xB0]  }
0xb0: {  	v7 =	vadd.f32 v7, v12;
	[tilespmem:s14+$0x50] =	vst v9;
	v9 =	vld [tilespmem:s14+$0xC0]  }
0xb1: {  	[tilespmem:s14+$0x60] =	vst v8;
	v5 =	vadd.f32 v5, v16;
	v8 =	vld [tilespmem:s14+$0xD0]  }
0xb2: {  	[tilespmem:s19+$0x70] =	vst v7;
	v6 =	vadd.f32 v6, v15;
	v7 =	vld [tilespmem:s19+$0xE0]  }
0xb3: {  	v4 =	vadd.f32 v4, v11;
	[tilespmem:s19+$0x80] =	vst v5  }
0xb4: {  	v3 =	vadd.f32 v3, v10;
	[tilespmem:s19+$0x90] =	vst v6  }
0xb5: {  	v2 =	vadd.f32 v2, v9;
	[tilespmem:s19+$0xA0] =	vst v4  }
0xb6: {  	v1 =	vadd.f32 v1, v8;
	[tilespmem:s19+$0xB0] =	vst v3  }
0xb7: {  	v0 =	vadd.f32 v0, v7;
	[tilespmem:s19+$0xC0] =	vst v2  }
0xb8: {  	s26 =	sshll.u32 s16, $0xB;
	[tilespmem:s19+$0xD0] =	vst v1  }
0xb9: {  	s28 =	simm.s32 $0xC800;
	s14 =	sadd.s32 s4, s26;
	[tilespmem:s19+$0xE0] =	vst v0;
	s19 =	simm.s32 $0x3  }
0xba: {  	[hbm4b:s14+s5] =	stream.linear.scatter [tilespmem:s28], [sflag:$0x9], $0x4000, $0x38;
	[tilespmem:$0x1C800] =	vst v63  }
0xbb: {  	_ =	swait.ge [sflag:s19], $0x2000  }
0xbc: {  	[sflag:s19] =	ssyncset.done $0x0  }
0xbd: {  	s22 =	simm.s32 $0x4;
	[sflag:s19] =	ssyncadd.s32 $0xFFFFE000  }
0xbe: {  	_ =	swait.ge [sflag:s22], $0x2000  }
0xbf: {  	[sflag:s22] =	ssyncset.done $0x0  }
0xc0: {  	s16 =	simm.s32 @!p0 $0xC;
	[sflag:s22] =	ssyncadd.s32 $0xFFFFE000  }
0xc1: {  	s14 =	sor.u32 $0x3, s25;
	_ =	swait.ge @!p0 [sflag:s16], $0x4000  }
0xc2: {  	s23 =	sshll.u32 s14, $0x7;
	[sflag:s16] =	ssyncset.done @!p0 $0x0  }
0xc3: {  	s29 =	simm.s32 $0x18800;
	s24 =	sand.u32 $0x3FFFFF80, s23;
	[sflag:s16] =	ssyncadd.s32 @!p0 $0xFFFFC000  }
0xc4: {  	[tilespmem:s29], [sflag:$0x7] =	stream.indirect.gather [hbm4b:s1+s15], $0x80, s24, s15, $0xb8;
	[tilespmem:$0x1C800] =	vst v63  }
0xc5: {  	s30 =	simm.s32 $0x10900;
	s26 =	simm.s32 $0x1A800;
	s16 =	sor.u32 $0x40, s24  }
0xc6: {  	[tilespmem:s26], [sflag:$0x8] =	stream.indirect.gather [hbm4b:s1+s15], $0x80, s16, s15, $0xb8;
	[tilespmem:$0x1C800] =	vst v63  }
0xc7: {  	v12 =	vld [tilespmem:s30+$0xF0]  }
0xc8: {  	s28 =	sadd.s32 $0xFFFFFFFC, s21;
	v33 =	vld [tilespmem:s30+$0xFFFFFF00]  }
0xc9: {  	s23 =	sadd.s32 $0x87, s28;
	v34 =	vld [tilespmem:s30+$0xFFFFFF10]  }
0xca: {  	s19 =	simm.s32 $0x0;
	p0 =	slt.u32 s23, $0xC8;
	v35 =	vld [tilespmem:s30+$0xFFFFFF20]  }
0xcb: {  	s19 =	simm.s32 @!p0 $0x7FFF38;
	v36 =	vld [tilespmem:s30+$0xFFFFFF30]  }
0xcc: {  	s19 =	sadd.s32 s19, s28;
	v37 =	vld [tilespmem:s30+$0xFFFFFF40]  }
0xcd: {  	s19 =	sshll.u32 s19, $0x9;
	v61 =	vld [tilespmem:s30+$0xFFFFFF60]  }
0xce: {  	s19 =	sadd.s32 $0x10E00, s19;
	v62 =	vld [tilespmem:s30+$0x0]  }
0xcf: {  	v63 =	vld [tilespmem:s30+$0x20];
	s19 =	sshra.s32 s19, $0x2  }
0xd0: {  	v13 =	vld [tilespmem:s19+$0x6470]  }
0xd1: {  	s22 =	sadd.s32 $0x84, s28;
	v5 =	vld [tilespmem:s19+$0x6400]  }
0xd2: {  	p0 =	slt.u32 s22, $0xC8;
	s22 =	simm.s32 $0x0;
	v6 =	vld [tilespmem:s19+$0x6410]  }
0xd3: {  	s22 =	simm.s32 @!p0 $0x7FFF38;
	v4 =	vld [tilespmem:s19+$0x6420]  }
0xd4: {  	s22 =	sadd.s32 s22, s28;
	v3 =	vld [tilespmem:s19+$0x6430]  }
0xd5: {  	s22 =	sshll.u32 s22, $0x9;
	v2 =	vld [tilespmem:s19+$0x6440]  }
0xd6: {  	s22 =	sadd.s32 $0x10800, s22;
	v1 =	vld [tilespmem:s19+$0x6450]  }
0xd7: {  	s22 =	sshra.s32 s22, $0x2;
	v0 =	vld [tilespmem:s19+$0x6460]  }
0xd8: {  	v14 =	vld [tilespmem:s22+$0x6400]  }
0xd9: {  	v15 =	vld [tilespmem:s22+$0x6410]  }
0xda: {  	s24 =	sadd.s32 $0x85, s28;
	v16 =	vld [tilespmem:s22+$0x6420]  }
0xdb: {  	p0 =	slt.u32 s24, $0xC8;
	s19 =	simm.s32 $0x0;
	v17 =	vld [tilespmem:s22+$0x6430]  }
0xdc: {  	s19 =	simm.s32 @!p0 $0x7FFF38;
	v18 =	vld [tilespmem:s22+$0x6440]  }
0xdd: {  	v19 =	vld [tilespmem:s22+$0x6450];
	s19 =	sadd.s32 s19, s28  }
0xde: {  	v20 =	vld [tilespmem:s22+$0x6460];
	s19 =	sshll.u32 s19, $0x9  }
0xdf: {  	v21 =	vld [tilespmem:s22+$0x6470];
	s19 =	sadd.s32 $0x10A00, s19  }
0xe0: {  	s19 =	sshra.s32 s19, $0x2;
	v12 =	vadd.f32 v13, v12;
	v13 =	vld [tilespmem:s30+$0xFFFFFF50]  }
0xe1: {  	v22 =	vld [tilespmem:s19+$0x6400]  }
0xe2: {  	s26 =	sadd.s32 $0x86, s28;
	v23 =	vld [tilespmem:s19+$0x6410]  }
0xe3: {  	p0 =	slt.u32 s26, $0xC8;
	s22 =	simm.s32 $0x0;
	v24 =	vld [tilespmem:s19+$0x6420]  }
0xe4: {  	s22 =	simm.s32 @!p0 $0x7FFF38;
	v25 =	vld [tilespmem:s19+$0x6430]  }
0xe5: {  	s16 =	sadd.s32 s22, s28;
	v26 =	vld [tilespmem:s19+$0x6440]  }
0xe6: {  	s16 =	sshll.u32 s16, $0x9;
	v27 =	vld [tilespmem:s19+$0x6450]  }
0xe7: {  	s16 =	sadd.s32 $0x10C00, s16;
	v28 =	vld [tilespmem:s19+$0x6460]  }
0xe8: {  	s16 =	sshra.s32 s16, $0x2;
	v29 =	vld [tilespmem:s19+$0x6470]  }
0xe9: {  	v30 =	vld [tilespmem:s16+$0x6400]  }
0xea: {  	v31 =	vld [tilespmem:s16+$0x6410]  }
0xeb: {  	v32 =	vld [tilespmem:s16+$0x6420]  }
0xec: {  	v11 =	vld [tilespmem:s16+$0x6430]  }
0xed: {  	v14 =	vadd.f32 v14, v33;
	v10 =	vld [tilespmem:s16+$0x6440]  }
0xee: {  	v16 =	vadd.f32 v16, v35;
	v9 =	vld [tilespmem:s16+$0x6450];
	[tilespmem:s30+$0xF0] =	vst v12  }
0xef: {  	v12 =	vadd.f32 v15, v34;
	v15 =	vld [tilespmem:s30+$0xFFFFFF70];
	[tilespmem:s30+$0xFFFFFF00] =	vst v14  }
0xf0: {  	v17 =	vadd.f32 v17, v36;
	v14 =	vld [tilespmem:s30+$0xFFFFFF80];
	[tilespmem:s30+$0xFFFFFF20] =	vst v16  }
0xf1: {  	v18 =	vadd.f32 v18, v37;
	[tilespmem:s30+$0xFFFFFF10] =	vst v12;
	v12 =	vld [tilespmem:s30+$0xFFFFFF90]  }
0xf2: {  	v16 =	vld [tilespmem:s30+$0xFFFFFFA0];
	[tilespmem:s30+$0xFFFFFF30] =	vst v17;
	v13 =	vadd.f32 v19, v13  }
0xf3: {  	v17 =	vld [tilespmem:s30+$0xFFFFFFB0];
	[tilespmem:s30+$0xFFFFFF40] =	vst v18;
	v19 =	vadd.f32 v20, v61  }
0xf4: {  	v18 =	vld [tilespmem:s30+$0xFFFFFFC0];
	v15 =	vadd.f32 v21, v15;
	[tilespmem:s30+$0xFFFFFF50] =	vst v13  }
0xf5: {  	v13 =	vld [tilespmem:s30+$0xFFFFFFD0];
	[tilespmem:s30+$0xFFFFFF60] =	vst v19;
	v14 =	vadd.f32 v22, v14  }
0xf6: {  	v19 =	vld [tilespmem:s30+$0xFFFFFFE0];
	[tilespmem:s30+$0xFFFFFF70] =	vst v15;
	v12 =	vadd.f32 v23, v12  }
0xf7: {  	v8 =	vld [tilespmem:s16+$0x6460];
	v15 =	vadd.f32 v24, v16;
	[tilespmem:s30+$0xFFFFFF80] =	vst v14  }
0xf8: {  	v20 =	vld [tilespmem:s30+$0xFFFFFFF0];
	v14 =	vadd.f32 v25, v17;
	[tilespmem:s30+$0xFFFFFF90] =	vst v12  }
0xf9: {  	v7 =	vld [tilespmem:s16+$0x6470];
	v12 =	vadd.f32 v26, v18;
	[tilespmem:s30+$0xFFFFFFA0] =	vst v15  }
0xfa: {  	v17 =	vld [tilespmem:s30+$0x10];
	v13 =	vadd.f32 v27, v13;
	[tilespmem:s30+$0xFFFFFFB0] =	vst v14  }
0xfb: {  	v16 =	vld [tilespmem:s30+$0x30];
	v18 =	vadd.f32 v28, v19;
	[tilespmem:s30+$0xFFFFFFC0] =	vst v12  }
0xfc: {  	v15 =	vld [tilespmem:s30+$0x40];
	v19 =	vadd.f32 v30, v62;
	[tilespmem:s30+$0xFFFFFFD0] =	vst v13  }
0xfd: {  	v14 =	vld [tilespmem:s30+$0x50];
	v12 =	vadd.f32 v29, v20;
	[tilespmem:s30+$0xFFFFFFE0] =	vst v18  }
0xfe: {  	s28 =	sor.u32 $0x1, s25;
	v13 =	vld [tilespmem:s30+$0x60];
	[tilespmem:s30+$0x0] =	vst v19  }
0xff: {  	s25 =	simm.s32 $0x10900;
	s19 =	simm.s32 $0x0;
	s16 =	sadd.s32 s6, s28;
	[tilespmem:s30+$0xFFFFFFF0] =	vst v12;
	v12 =	vld [tilespmem:s30+$0x70];
	v18 =	vadd.f32 v31, v17;
	v17 =	vadd.f32 v32, v63  }
.LBB2_5:
0x100: {  	s22 =	sadd.s32 s19, s21  }
0x101: {  	s19 =	sadd.s32 $0x4, s19;
	s23 =	sadd.s32 $0x84, s22  }
0x102: {  	v11 =	vadd.f32 v11, v16;
	[tilespmem:s30+$0x10] =	vst v18;
	v16 =	vld [tilespmem:s30+$0x80];
	s24 =	sadd.s32 $0x87, s22;
	p0 =	slt.u32 s19, $0x7C;
	s26 =	sadd.s32 $0x85, s22  }
0x103: {  	v10 =	vadd.f32 v10, v15;
	[tilespmem:s30+$0x20] =	vst v17;
	v15 =	vld [tilespmem:s30+$0x90];
	s28 =	sadd.s32 $0x86, s22;
	p2 =	slt.u32 s24, $0xC8;
	p3 =	slt.u32 s23, $0xC8  }
0x104: {  	v9 =	vadd.f32 v9, v14;
	[tilespmem:s30+$0x30] =	vst v11;
	v11 =	vld [tilespmem:s30+$0xA0];
	p1 =	slt.u32 s26, $0xC8;
	s23 =	simm.s32 $0x0;
	s24 =	simm.s32 $0x0  }
0x105: {  	s26 =	simm.s32 $0x0;
	s23 =	simm.s32 @!p2 $0x7FFF38;
	v8 =	vadd.f32 v8, v13;
	[tilespmem:s30+$0x40] =	vst v10;
	v10 =	vld [tilespmem:s30+$0xB0];
	s24 =	simm.s32 @!p3 $0x7FFF38  }
0x106: {  	p2 =	slt.u32 s28, $0xC8;
	s28 =	simm.s32 $0x0;
	s23 =	sadd.s32 s23, s22;
	v7 =	vadd.f32 v7, v12;
	[tilespmem:s30+$0x50] =	vst v9;
	v9 =	vld [tilespmem:s30+$0xC0]  }
0x107: {  	s26 =	simm.s32 @!p1 $0x7FFF38;
	s28 =	simm.s32 @!p2 $0x7FFF38;
	s23 =	sshll.u32 s23, $0x9;
	[tilespmem:s30+$0x60] =	vst v8;
	v5 =	vadd.f32 v5, v16;
	v8 =	vld [tilespmem:s30+$0xD0]  }
0x108: {  	s24 =	sadd.s32 s24, s22;
	s30 =	sadd.s32 $0x200, s30;
	s23 =	sadd.s32 $0x10E00, s23;
	[tilespmem:s25+$0x70] =	vst v7;
	v6 =	vadd.f32 v6, v15;
	v7 =	vld [tilespmem:s25+$0xE0]  }
0x109: {  	s26 =	sadd.s32 s26, s22;
	s22 =	sadd.s32 s28, s22;
	s23 =	sshra.s32 s23, $0x2;
	v12 =	vld [tilespmem:s30+$0xF0];
	v4 =	vadd.f32 v4, v11;
	[tilespmem:s25+$0x80] =	vst v5  }
0x10a: {  	s24 =	sshll.u32 s24, $0x9;
	s26 =	sshll.u32 s26, $0x9;
	s22 =	sshll.u32 s22, $0x9;
	v11 =	vld [tilespmem:s23+$0x6470];
	v3 =	vadd.f32 v3, v10;
	[tilespmem:s25+$0x90] =	vst v6  }
0x10b: {  	s24 =	sadd.s32 $0x10800, s24;
	s26 =	sadd.s32 $0x10A00, s26;
	s22 =	sadd.s32 $0x10C00, s22;
	v5 =	vld [tilespmem:s23+$0x6400];
	v2 =	vadd.f32 v2, v9;
	[tilespmem:s25+$0xA0] =	vst v4  }
0x10c: {  	s28 =	sshra.s32 s24, $0x2;
	s26 =	sshra.s32 s26, $0x2;
	s24 =	sshra.s32 s22, $0x2;
	v6 =	vld [tilespmem:s23+$0x6410];
	v1 =	vadd.f32 v1, v8;
	[tilespmem:s25+$0xB0] =	vst v3  }
0x10d: {  	v4 =	vld [tilespmem:s23+$0x6420];
	v0 =	vadd.f32 v0, v7;
	[tilespmem:s25+$0xC0] =	vst v2  }
0x10e: {  	v3 =	vld [tilespmem:s23+$0x6430];
	[tilespmem:s25+$0xD0] =	vst v1  }
0x10f: {  	v2 =	vld [tilespmem:s23+$0x6440];
	v7 =	vadd.f32 v11, v12;
	[tilespmem:s25+$0xE0] =	vst v0;
	s25 =	smov.u32 s30  }
0x110: {  	v1 =	vld [tilespmem:s23+$0x6450]  }
0x111: {  	v0 =	vld [tilespmem:s23+$0x6460];
	[tilespmem:s30+$0xF0] =	vst v7  }
0x112: {  	v12 =	vld [tilespmem:s28+$0x6400]  }
0x113: {  	v13 =	vld [tilespmem:s28+$0x6410]  }
0x114: {  	v14 =	vld [tilespmem:s28+$0x6420]  }
0x115: {  	v15 =	vld [tilespmem:s28+$0x6430]  }
0x116: {  	v16 =	vld [tilespmem:s28+$0x6440]  }
0x117: {  	v17 =	vld [tilespmem:s28+$0x6450]  }
0x118: {  	v18 =	vld [tilespmem:s28+$0x6460]  }
0x119: {  	v19 =	vld [tilespmem:s28+$0x6470]  }
0x11a: {  	v20 =	vld [tilespmem:s26+$0x6400]  }
0x11b: {  	v21 =	vld [tilespmem:s26+$0x6410]  }
0x11c: {  	v22 =	vld [tilespmem:s26+$0x6420]  }
0x11d: {  	v23 =	vld [tilespmem:s26+$0x6430]  }
0x11e: {  	v24 =	vld [tilespmem:s26+$0x6440]  }
0x11f: {  	v25 =	vld [tilespmem:s26+$0x6450]  }
0x120: {  	v26 =	vld [tilespmem:s26+$0x6460]  }
0x121: {  	v27 =	vld [tilespmem:s26+$0x6470]  }
0x122: {  	v28 =	vld [tilespmem:s24+$0x6400]  }
0x123: {  	v29 =	vld [tilespmem:s24+$0x6410]  }
0x124: {  	v30 =	vld [tilespmem:s24+$0x6420]  }
0x125: {  	v11 =	vld [tilespmem:s24+$0x6430]  }
0x126: {  	v10 =	vld [tilespmem:s24+$0x6440]  }
0x127: {  	v9 =	vld [tilespmem:s24+$0x6450]  }
0x128: {  	v8 =	vld [tilespmem:s24+$0x6460]  }
0x129: {  	v7 =	vld [tilespmem:s24+$0x6470]  }
0x12a: {  	v31 =	vld [tilespmem:s30+$0xFFFFFF00]  }
0x12b: {  	v32 =	vld [tilespmem:s30+$0xFFFFFF10]  }
0x12c: {  	v33 =	vld [tilespmem:s30+$0xFFFFFF20]  }
0x12d: {  	v34 =	vld [tilespmem:s30+$0xFFFFFF30]  }
0x12e: {  	v35 =	vld [tilespmem:s30+$0xFFFFFF40]  }
0x12f: {  	v12 =	vadd.f32 v12, v31;
	v31 =	vld [tilespmem:s30+$0xFFFFFF50]  }
0x130: {  	v13 =	vadd.f32 v13, v32;
	v32 =	vld [tilespmem:s30+$0xFFFFFF60]  }
0x131: {  	v14 =	vadd.f32 v14, v33;
	v33 =	vld [tilespmem:s30+$0xFFFFFF70];
	[tilespmem:s30+$0xFFFFFF00] =	vst v12  }
0x132: {  	v12 =	vadd.f32 v15, v34;
	[tilespmem:s30+$0xFFFFFF10] =	vst v13;
	v13 =	vld [tilespmem:s30+$0xFFFFFF80]  }
0x133: {  	v15 =	vadd.f32 v16, v35;
	[tilespmem:s30+$0xFFFFFF20] =	vst v14;
	v14 =	vld [tilespmem:s30+$0xFFFFFF90]  }
0x134: {  	v16 =	vadd.f32 v17, v31;
	[tilespmem:s30+$0xFFFFFF30] =	vst v12;
	v12 =	vld [tilespmem:s30+$0xFFFFFFA0]  }
0x135: {  	v17 =	vadd.f32 v18, v32;
	[tilespmem:s30+$0xFFFFFF40] =	vst v15;
	v15 =	vld [tilespmem:s30+$0xFFFFFFB0]  }
0x136: {  	v18 =	vadd.f32 v19, v33;
	[tilespmem:s30+$0xFFFFFF50] =	vst v16;
	v16 =	vld [tilespmem:s30+$0xFFFFFFC0]  }
0x137: {  	[tilespmem:s30+$0xFFFFFF60] =	vst v17;
	v13 =	vadd.f32 v20, v13;
	v17 =	vld [tilespmem:s30+$0xFFFFFFD0]  }
0x138: {  	[tilespmem:s30+$0xFFFFFF70] =	vst v18;
	v14 =	vadd.f32 v21, v14;
	v18 =	vld [tilespmem:s30+$0xFFFFFFE0]  }
0x139: {  	v12 =	vadd.f32 v22, v12;
	v19 =	vld [tilespmem:s30+$0xFFFFFFF0];
	[tilespmem:s30+$0xFFFFFF80] =	vst v13  }
0x13a: {  	v13 =	vadd.f32 v23, v15;
	[tilespmem:s30+$0xFFFFFF90] =	vst v14;
	v14 =	vld [tilespmem:s30+$0x0]  }
0x13b: {  	v15 =	vadd.f32 v24, v16;
	[tilespmem:s30+$0xFFFFFFA0] =	vst v12;
	v12 =	vld [tilespmem:s30+$0x10]  }
0x13c: {  	v17 =	vadd.f32 v25, v17;
	[tilespmem:s30+$0xFFFFFFB0] =	vst v13;
	v20 =	vld [tilespmem:s30+$0x20]  }
.Ltmp1:
0x13d: {  	v13 =	vadd.f32 v26, v18;
	[tilespmem:s30+$0xFFFFFFC0] =	vst v15;
	v16 =	vld [tilespmem:s30+$0x30];
	(pc) =	sbr.rel @p0 .LBB2_5-.Ltmp1, $4  }
0x13e: {  	v18 =	vadd.f32 v27, v19;
	[tilespmem:s30+$0xFFFFFFD0] =	vst v17;
	v15 =	vld [tilespmem:s30+$0x40]  }
0x13f: {  	[tilespmem:s30+$0xFFFFFFE0] =	vst v13;
	v19 =	vadd.f32 v28, v14;
	v14 =	vld [tilespmem:s30+$0x50]  }
0x140: {  	[tilespmem:s30+$0xFFFFFFF0] =	vst v18;
	v18 =	vadd.f32 v29, v12;
	v13 =	vld [tilespmem:s30+$0x60]  }
0x141: {  	v17 =	vadd.f32 v30, v20;
	v12 =	vld [tilespmem:s30+$0x70];
	[tilespmem:s30+$0x0] =	vst v19  }
0x142: {  	v11 =	vadd.f32 v11, v16;
	[tilespmem:s30+$0x10] =	vst v18;
	v16 =	vld [tilespmem:s30+$0x80]  }
0x143: {  	v10 =	vadd.f32 v10, v15;
	[tilespmem:s30+$0x20] =	vst v17;
	v15 =	vld [tilespmem:s30+$0x90]  }
0x144: {  	v9 =	vadd.f32 v9, v14;
	[tilespmem:s30+$0x30] =	vst v11;
	v11 =	vld [tilespmem:s30+$0xA0]  }
0x145: {  	v8 =	vadd.f32 v8, v13;
	[tilespmem:s30+$0x40] =	vst v10;
	v10 =	vld [tilespmem:s30+$0xB0]  }
0x146: {  	v7 =	vadd.f32 v7, v12;
	[tilespmem:s30+$0x50] =	vst v9;
	v9 =	vld [tilespmem:s30+$0xC0]  }
0x147: {  	[tilespmem:s30+$0x60] =	vst v8;
	v5 =	vadd.f32 v5, v16;
	v8 =	vld [tilespmem:s30+$0xD0]  }
0x148: {  	[tilespmem:s25+$0x70] =	vst v7;
	v6 =	vadd.f32 v6, v15;
	v7 =	vld [tilespmem:s25+$0xE0]  }
0x149: {  	v4 =	vadd.f32 v4, v11;
	[tilespmem:s25+$0x80] =	vst v5  }
0x14a: {  	v3 =	vadd.f32 v3, v10;
	[tilespmem:s25+$0x90] =	vst v6  }
0x14b: {  	v2 =	vadd.f32 v2, v9;
	[tilespmem:s25+$0xA0] =	vst v4  }
0x14c: {  	v1 =	vadd.f32 v1, v8;
	[tilespmem:s25+$0xB0] =	vst v3  }
0x14d: {  	s16 =	sshll.u32 s16, $0xB;
	v0 =	vadd.f32 v0, v7;
	[tilespmem:s25+$0xC0] =	vst v2  }
0x14e: {  	s16 =	sand.u32 $0x1FFFE800, s16;
	[tilespmem:s25+$0xD0] =	vst v1  }
0x14f: {  	s19 =	simm.s32 $0x10800;
	s16 =	sadd.s32 s4, s16;
	[tilespmem:s25+$0xE0] =	vst v0  }
0x150: {  	[hbm4b:s16+s5] =	stream.linear.scatter [tilespmem:s19], [sflag:$0xA], $0x4000, $0x38;
	[tilespmem:$0x1C800] =	vst v63  }
0x151: {  	_ =	swait.ge [sflag:s31], $0x2000  }
0x152: {  	[sflag:s31] =	ssyncset.done $0x0  }
0x153: {  	[sflag:s31] =	ssyncadd.s32 $0xFFFFE000  }
0x154: {  	_ =	swait.ge [sflag:s2], $0x2000  }
0x155: {  	p0 =	seq.s32 s8, $0x31;
	[sflag:s2] =	ssyncset.done $0x0  }
0x156: {  	s24 =	sadd.s32 $0xFFFFFFFC, s18;
	s22 =	simm.s32 @!p0 $0xC800;
	[sflag:s2] =	ssyncadd.s32 $0xFFFFE000  }
0x157: {  	s25 =	sadd.s32 $0x107, s24;
	s16 =	sshll.u32 @!p0 s8, $0x9;
	_ =	swait.ge [sflag:s0], $0x4000  }
0x158: {  	s19 =	simm.s32 @!p0 $0x40;
	s21 =	sand.u32 @!p0 $0x3FFFFE00, s16;
	[sflag:s0] =	ssyncset.done $0x0  }
0x159: {  	p1 =	slt.u32 s25, $0xC8;
	s16 =	sadd.s32 @!p0 $0x200, s21;
	[sflag:s0] =	ssyncadd.s32 $0xFFFFC000  }
0x15a: {  	[tilespmem:s22], [sflag:$0x1] =	stream.indirect.gather @!p0 [hbm4b:s1+s19], $0x80, s16, s19, $0xb8;
	[tilespmem:$0x1C800] =	vst v63  }
0x15b: {  	s25 =	simm.s32 $0x14900;
	s16 =	sadd.s32 @!p0 $0x240, s21;
	s22 =	simm.s32 @!p0 $0xE800  }
0x15c: {  	[tilespmem:s22], [sflag:$0x2] =	stream.indirect.gather @!p0 [hbm4b:s1+s19], $0x80, s16, s19, $0xb8;
	[tilespmem:$0x1C800] =	vst v63  }
0x15d: {  	v12 =	vld [tilespmem:s25+$0xF0]  }
0x15e: {  	v33 =	vld [tilespmem:s25+$0xFFFFFF00]  }
0x15f: {  	v34 =	vld [tilespmem:s25+$0xFFFFFF10]  }
0x160: {  	s19 =	simm.s32 $0x0;
	v35 =	vld [tilespmem:s25+$0xFFFFFF20]  }
0x161: {  	s19 =	simm.s32 @!p1 $0x7FFF38;
	v36 =	vld [tilespmem:s25+$0xFFFFFF30]  }
0x162: {  	v37 =	vld [tilespmem:s25+$0xFFFFFF40];
	s19 =	sadd.s32 s19, s24  }
0x163: {  	v61 =	vld [tilespmem:s25+$0xFFFFFF60];
	s19 =	sshll.u32 s19, $0x9  }
0x164: {  	v62 =	vld [tilespmem:s25+$0x0];
	s19 =	sadd.s32 $0x20E00, s19  }
0x165: {  	v63 =	vld [tilespmem:s25+$0x20];
	s19 =	sshra.s32 s19, $0x2  }
0x166: {  	v13 =	vld [tilespmem:s19+$0x6470]  }
0x167: {  	s26 =	sadd.s32 $0x104, s24;
	v5 =	vld [tilespmem:s19+$0x6400]  }
0x168: {  	s22 =	simm.s32 $0x0;
	p1 =	slt.u32 s26, $0xC8;
	v6 =	vld [tilespmem:s19+$0x6410]  }
0x169: {  	s22 =	simm.s32 @!p1 $0x7FFF38;
	v4 =	vld [tilespmem:s19+$0x6420]  }
0x16a: {  	s22 =	sadd.s32 s22, s24;
	v3 =	vld [tilespmem:s19+$0x6430]  }
0x16b: {  	s22 =	sshll.u32 s22, $0x9;
	v2 =	vld [tilespmem:s19+$0x6440]  }
0x16c: {  	s22 =	sadd.s32 $0x20800, s22;
	v1 =	vld [tilespmem:s19+$0x6450]  }
0x16d: {  	s22 =	sshra.s32 s22, $0x2;
	v0 =	vld [tilespmem:s19+$0x6460]  }
0x16e: {  	v14 =	vld [tilespmem:s22+$0x6400]  }
0x16f: {  	v15 =	vld [tilespmem:s22+$0x6410]  }
0x170: {  	s28 =	sadd.s32 $0x105, s24;
	v16 =	vld [tilespmem:s22+$0x6420]  }
0x171: {  	p1 =	slt.u32 s28, $0xC8;
	s19 =	simm.s32 $0x0;
	v17 =	vld [tilespmem:s22+$0x6430]  }
0x172: {  	s19 =	simm.s32 @!p1 $0x7FFF38;
	v18 =	vld [tilespmem:s22+$0x6440]  }
0x173: {  	v19 =	vld [tilespmem:s22+$0x6450];
	s19 =	sadd.s32 s19, s24  }
0x174: {  	v20 =	vld [tilespmem:s22+$0x6460];
	s19 =	sshll.u32 s19, $0x9  }
0x175: {  	v21 =	vld [tilespmem:s22+$0x6470];
	s19 =	sadd.s32 $0x20A00, s19  }
0x176: {  	s19 =	sshra.s32 s19, $0x2;
	v12 =	vadd.f32 v13, v12;
	v13 =	vld [tilespmem:s25+$0xFFFFFF50]  }
0x177: {  	v22 =	vld [tilespmem:s19+$0x6400]  }
0x178: {  	s30 =	sadd.s32 $0x106, s24;
	v23 =	vld [tilespmem:s19+$0x6410]  }
0x179: {  	p1 =	slt.u32 s30, $0xC8;
	s22 =	simm.s32 $0x0;
	v24 =	vld [tilespmem:s19+$0x6420]  }
0x17a: {  	s22 =	simm.s32 @!p1 $0x7FFF38;
	v25 =	vld [tilespmem:s19+$0x6430]  }
0x17b: {  	s16 =	sadd.s32 s22, s24;
	v26 =	vld [tilespmem:s19+$0x6440]  }
0x17c: {  	s16 =	sshll.u32 s16, $0x9;
	v27 =	vld [tilespmem:s19+$0x6450]  }
0x17d: {  	s16 =	sadd.s32 $0x20C00, s16;
	v28 =	vld [tilespmem:s19+$0x6460]  }
0x17e: {  	s16 =	sshra.s32 s16, $0x2;
	v29 =	vld [tilespmem:s19+$0x6470]  }
0x17f: {  	v30 =	vld [tilespmem:s16+$0x6400]  }
0x180: {  	v31 =	vld [tilespmem:s16+$0x6410]  }
0x181: {  	v32 =	vld [tilespmem:s16+$0x6420]  }
0x182: {  	v11 =	vld [tilespmem:s16+$0x6430]  }
0x183: {  	v14 =	vadd.f32 v14, v33;
	v10 =	vld [tilespmem:s16+$0x6440]  }
0x184: {  	v16 =	vadd.f32 v16, v35;
	v9 =	vld [tilespmem:s16+$0x6450];
	[tilespmem:s25+$0xF0] =	vst v12  }
0x185: {  	v12 =	vadd.f32 v15, v34;
	v15 =	vld [tilespmem:s25+$0xFFFFFF70];
	[tilespmem:s25+$0xFFFFFF00] =	vst v14  }
0x186: {  	v17 =	vadd.f32 v17, v36;
	v14 =	vld [tilespmem:s25+$0xFFFFFF80];
	[tilespmem:s25+$0xFFFFFF20] =	vst v16  }
0x187: {  	v18 =	vadd.f32 v18, v37;
	[tilespmem:s25+$0xFFFFFF10] =	vst v12;
	v12 =	vld [tilespmem:s25+$0xFFFFFF90]  }
0x188: {  	v16 =	vld [tilespmem:s25+$0xFFFFFFA0];
	[tilespmem:s25+$0xFFFFFF30] =	vst v17;
	v13 =	vadd.f32 v19, v13  }
0x189: {  	v17 =	vld [tilespmem:s25+$0xFFFFFFB0];
	[tilespmem:s25+$0xFFFFFF40] =	vst v18;
	v19 =	vadd.f32 v20, v61  }
0x18a: {  	v18 =	vld [tilespmem:s25+$0xFFFFFFC0];
	v15 =	vadd.f32 v21, v15;
	[tilespmem:s25+$0xFFFFFF50] =	vst v13  }
0x18b: {  	v13 =	vld [tilespmem:s25+$0xFFFFFFD0];
	[tilespmem:s25+$0xFFFFFF60] =	vst v19;
	v14 =	vadd.f32 v22, v14  }
0x18c: {  	v19 =	vld [tilespmem:s25+$0xFFFFFFE0];
	[tilespmem:s25+$0xFFFFFF70] =	vst v15;
	v12 =	vadd.f32 v23, v12  }
0x18d: {  	v8 =	vld [tilespmem:s16+$0x6460];
	v15 =	vadd.f32 v24, v16;
	[tilespmem:s25+$0xFFFFFF80] =	vst v14  }
0x18e: {  	v20 =	vld [tilespmem:s25+$0xFFFFFFF0];
	v14 =	vadd.f32 v25, v17;
	[tilespmem:s25+$0xFFFFFF90] =	vst v12  }
0x18f: {  	v7 =	vld [tilespmem:s16+$0x6470];
	v12 =	vadd.f32 v26, v18;
	[tilespmem:s25+$0xFFFFFFA0] =	vst v15  }
0x190: {  	v17 =	vld [tilespmem:s25+$0x10];
	v13 =	vadd.f32 v27, v13;
	[tilespmem:s25+$0xFFFFFFB0] =	vst v14  }
0x191: {  	v16 =	vld [tilespmem:s25+$0x30];
	v18 =	vadd.f32 v28, v19;
	[tilespmem:s25+$0xFFFFFFC0] =	vst v12  }
0x192: {  	v15 =	vld [tilespmem:s25+$0x40];
	v19 =	vadd.f32 v30, v62;
	[tilespmem:s25+$0xFFFFFFD0] =	vst v13  }
0x193: {  	v14 =	vld [tilespmem:s25+$0x50];
	v12 =	vadd.f32 v29, v20;
	[tilespmem:s25+$0xFFFFFFE0] =	vst v18  }
0x194: {  	v13 =	vld [tilespmem:s25+$0x60];
	[tilespmem:s25+$0x0] =	vst v19  }
0x195: {  	s19 =	simm.s32 $0x0;
	s16 =	sadd.s32 s6, s20;
	s20 =	simm.s32 $0x14900;
	[tilespmem:s25+$0xFFFFFFF0] =	vst v12;
	v12 =	vld [tilespmem:s25+$0x70];
	v18 =	vadd.f32 v31, v17;
	v17 =	vadd.f32 v32, v63  }
.LBB2_7:
0x196: {  	s22 =	sadd.s32 s19, s18  }
0x197: {  	s19 =	sadd.s32 $0x4, s19;
	s23 =	sadd.s32 $0x104, s22  }
0x198: {  	v11 =	vadd.f32 v11, v16;
	[tilespmem:s25+$0x10] =	vst v18;
	v16 =	vld [tilespmem:s25+$0x80];
	s24 =	sadd.s32 $0x107, s22;
	p1 =	slt.u32 s19, $0x7C;
	s26 =	sadd.s32 $0x105, s22  }
0x199: {  	v10 =	vadd.f32 v10, v15;
	[tilespmem:s25+$0x20] =	vst v17;
	v15 =	vld [tilespmem:s25+$0x90];
	s28 =	sadd.s32 $0x106, s22;
	p3 =	slt.u32 s24, $0xC8;
	p4 =	slt.u32 s23, $0xC8  }
0x19a: {  	v9 =	vadd.f32 v9, v14;
	[tilespmem:s25+$0x30] =	vst v11;
	v11 =	vld [tilespmem:s25+$0xA0];
	p2 =	slt.u32 s26, $0xC8;
	s23 =	simm.s32 $0x0;
	s24 =	simm.s32 $0x0  }
0x19b: {  	s26 =	simm.s32 $0x0;
	s23 =	simm.s32 @!p3 $0x7FFF38;
	v8 =	vadd.f32 v8, v13;
	[tilespmem:s25+$0x40] =	vst v10;
	v10 =	vld [tilespmem:s25+$0xB0];
	s24 =	simm.s32 @!p4 $0x7FFF38  }
0x19c: {  	p3 =	slt.u32 s28, $0xC8;
	s28 =	simm.s32 $0x0;
	s23 =	sadd.s32 s23, s22;
	v7 =	vadd.f32 v7, v12;
	[tilespmem:s25+$0x50] =	vst v9;
	v9 =	vld [tilespmem:s25+$0xC0]  }
0x19d: {  	s26 =	simm.s32 @!p2 $0x7FFF38;
	s28 =	simm.s32 @!p3 $0x7FFF38;
	s23 =	sshll.u32 s23, $0x9;
	[tilespmem:s25+$0x60] =	vst v8;
	v5 =	vadd.f32 v5, v16;
	v8 =	vld [tilespmem:s25+$0xD0]  }
0x19e: {  	s24 =	sadd.s32 s24, s22;
	s25 =	sadd.s32 $0x200, s25;
	s23 =	sadd.s32 $0x20E00, s23;
	[tilespmem:s20+$0x70] =	vst v7;
	v6 =	vadd.f32 v6, v15;
	v7 =	vld [tilespmem:s20+$0xE0]  }
0x19f: {  	s26 =	sadd.s32 s26, s22;
	s22 =	sadd.s32 s28, s22;
	s23 =	sshra.s32 s23, $0x2;
	v12 =	vld [tilespmem:s25+$0xF0];
	v4 =	vadd.f32 v4, v11;
	[tilespmem:s20+$0x80] =	vst v5  }
0x1a0: {  	s24 =	sshll.u32 s24, $0x9;
	s26 =	sshll.u32 s26, $0x9;
	s22 =	sshll.u32 s22, $0x9;
	v11 =	vld [tilespmem:s23+$0x6470];
	v3 =	vadd.f32 v3, v10;
	[tilespmem:s20+$0x90] =	vst v6  }
0x1a1: {  	s24 =	sadd.s32 $0x20800, s24;
	s26 =	sadd.s32 $0x20A00, s26;
	s22 =	sadd.s32 $0x20C00, s22;
	v5 =	vld [tilespmem:s23+$0x6400];
	v2 =	vadd.f32 v2, v9;
	[tilespmem:s20+$0xA0] =	vst v4  }
0x1a2: {  	s28 =	sshra.s32 s24, $0x2;
	s26 =	sshra.s32 s26, $0x2;
	s24 =	sshra.s32 s22, $0x2;
	v6 =	vld [tilespmem:s23+$0x6410];
	v1 =	vadd.f32 v1, v8;
	[tilespmem:s20+$0xB0] =	vst v3  }
0x1a3: {  	v4 =	vld [tilespmem:s23+$0x6420];
	v0 =	vadd.f32 v0, v7;
	[tilespmem:s20+$0xC0] =	vst v2  }
0x1a4: {  	v3 =	vld [tilespmem:s23+$0x6430];
	[tilespmem:s20+$0xD0] =	vst v1  }
0x1a5: {  	v2 =	vld [tilespmem:s23+$0x6440];
	v7 =	vadd.f32 v11, v12;
	[tilespmem:s20+$0xE0] =	vst v0;
	s20 =	smov.u32 s25  }
0x1a6: {  	v1 =	vld [tilespmem:s23+$0x6450]  }
0x1a7: {  	v0 =	vld [tilespmem:s23+$0x6460];
	[tilespmem:s25+$0xF0] =	vst v7  }
0x1a8: {  	v12 =	vld [tilespmem:s28+$0x6400]  }
0x1a9: {  	v13 =	vld [tilespmem:s28+$0x6410]  }
0x1aa: {  	v14 =	vld [tilespmem:s28+$0x6420]  }
0x1ab: {  	v15 =	vld [tilespmem:s28+$0x6430]  }
0x1ac: {  	v16 =	vld [tilespmem:s28+$0x6440]  }
0x1ad: {  	v17 =	vld [tilespmem:s28+$0x6450]  }
0x1ae: {  	v18 =	vld [tilespmem:s28+$0x6460]  }
0x1af: {  	v19 =	vld [tilespmem:s28+$0x6470]  }
0x1b0: {  	v20 =	vld [tilespmem:s26+$0x6400]  }
0x1b1: {  	v21 =	vld [tilespmem:s26+$0x6410]  }
0x1b2: {  	v22 =	vld [tilespmem:s26+$0x6420]  }
0x1b3: {  	v23 =	vld [tilespmem:s26+$0x6430]  }
0x1b4: {  	v24 =	vld [tilespmem:s26+$0x6440]  }
0x1b5: {  	v25 =	vld [tilespmem:s26+$0x6450]  }
0x1b6: {  	v26 =	vld [tilespmem:s26+$0x6460]  }
0x1b7: {  	v27 =	vld [tilespmem:s26+$0x6470]  }
0x1b8: {  	v28 =	vld [tilespmem:s24+$0x6400]  }
0x1b9: {  	v29 =	vld [tilespmem:s24+$0x6410]  }
0x1ba: {  	v30 =	vld [tilespmem:s24+$0x6420]  }
0x1bb: {  	v11 =	vld [tilespmem:s24+$0x6430]  }
0x1bc: {  	v10 =	vld [tilespmem:s24+$0x6440]  }
0x1bd: {  	v9 =	vld [tilespmem:s24+$0x6450]  }
0x1be: {  	v8 =	vld [tilespmem:s24+$0x6460]  }
0x1bf: {  	v7 =	vld [tilespmem:s24+$0x6470]  }
0x1c0: {  	v31 =	vld [tilespmem:s25+$0xFFFFFF00]  }
0x1c1: {  	v32 =	vld [tilespmem:s25+$0xFFFFFF10]  }
0x1c2: {  	v33 =	vld [tilespmem:s25+$0xFFFFFF20]  }
0x1c3: {  	v34 =	vld [tilespmem:s25+$0xFFFFFF30]  }
0x1c4: {  	v35 =	vld [tilespmem:s25+$0xFFFFFF40]  }
0x1c5: {  	v12 =	vadd.f32 v12, v31;
	v31 =	vld [tilespmem:s25+$0xFFFFFF50]  }
0x1c6: {  	v13 =	vadd.f32 v13, v32;
	v32 =	vld [tilespmem:s25+$0xFFFFFF60]  }
0x1c7: {  	v14 =	vadd.f32 v14, v33;
	v33 =	vld [tilespmem:s25+$0xFFFFFF70];
	[tilespmem:s25+$0xFFFFFF00] =	vst v12  }
0x1c8: {  	v12 =	vadd.f32 v15, v34;
	[tilespmem:s25+$0xFFFFFF10] =	vst v13;
	v13 =	vld [tilespmem:s25+$0xFFFFFF80]  }
0x1c9: {  	v15 =	vadd.f32 v16, v35;
	[tilespmem:s25+$0xFFFFFF20] =	vst v14;
	v14 =	vld [tilespmem:s25+$0xFFFFFF90]  }
0x1ca: {  	v16 =	vadd.f32 v17, v31;
	[tilespmem:s25+$0xFFFFFF30] =	vst v12;
	v12 =	vld [tilespmem:s25+$0xFFFFFFA0]  }
0x1cb: {  	v17 =	vadd.f32 v18, v32;
	[tilespmem:s25+$0xFFFFFF40] =	vst v15;
	v15 =	vld [tilespmem:s25+$0xFFFFFFB0]  }
0x1cc: {  	v18 =	vadd.f32 v19, v33;
	[tilespmem:s25+$0xFFFFFF50] =	vst v16;
	v16 =	vld [tilespmem:s25+$0xFFFFFFC0]  }
0x1cd: {  	[tilespmem:s25+$0xFFFFFF60] =	vst v17;
	v13 =	vadd.f32 v20, v13;
	v17 =	vld [tilespmem:s25+$0xFFFFFFD0]  }
0x1ce: {  	[tilespmem:s25+$0xFFFFFF70] =	vst v18;
	v14 =	vadd.f32 v21, v14;
	v18 =	vld [tilespmem:s25+$0xFFFFFFE0]  }
0x1cf: {  	v12 =	vadd.f32 v22, v12;
	v19 =	vld [tilespmem:s25+$0xFFFFFFF0];
	[tilespmem:s25+$0xFFFFFF80] =	vst v13  }
0x1d0: {  	v13 =	vadd.f32 v23, v15;
	[tilespmem:s25+$0xFFFFFF90] =	vst v14;
	v14 =	vld [tilespmem:s25+$0x0]  }
0x1d1: {  	v15 =	vadd.f32 v24, v16;
	[tilespmem:s25+$0xFFFFFFA0] =	vst v12;
	v12 =	vld [tilespmem:s25+$0x10]  }
0x1d2: {  	v17 =	vadd.f32 v25, v17;
	[tilespmem:s25+$0xFFFFFFB0] =	vst v13;
	v20 =	vld [tilespmem:s25+$0x20]  }
.Ltmp2:
0x1d3: {  	v13 =	vadd.f32 v26, v18;
	[tilespmem:s25+$0xFFFFFFC0] =	vst v15;
	v16 =	vld [tilespmem:s25+$0x30];
	(pc) =	sbr.rel @p1 .LBB2_7-.Ltmp2, $4  }
0x1d4: {  	v18 =	vadd.f32 v27, v19;
	[tilespmem:s25+$0xFFFFFFD0] =	vst v17;
	v15 =	vld [tilespmem:s25+$0x40]  }
0x1d5: {  	[tilespmem:s25+$0xFFFFFFE0] =	vst v13;
	v19 =	vadd.f32 v28, v14;
	v14 =	vld [tilespmem:s25+$0x50]  }
0x1d6: {  	[tilespmem:s25+$0xFFFFFFF0] =	vst v18;
	v18 =	vadd.f32 v29, v12;
	v13 =	vld [tilespmem:s25+$0x60]  }
0x1d7: {  	v17 =	vadd.f32 v30, v20;
	v12 =	vld [tilespmem:s25+$0x70];
	[tilespmem:s25+$0x0] =	vst v19  }
0x1d8: {  	v11 =	vadd.f32 v11, v16;
	[tilespmem:s25+$0x10] =	vst v18;
	v16 =	vld [tilespmem:s25+$0x80]  }
0x1d9: {  	v10 =	vadd.f32 v10, v15;
	[tilespmem:s25+$0x20] =	vst v17;
	v15 =	vld [tilespmem:s25+$0x90]  }
0x1da: {  	v9 =	vadd.f32 v9, v14;
	[tilespmem:s25+$0x30] =	vst v11;
	v11 =	vld [tilespmem:s25+$0xA0]  }
0x1db: {  	v8 =	vadd.f32 v8, v13;
	[tilespmem:s25+$0x40] =	vst v10;
	v10 =	vld [tilespmem:s25+$0xB0]  }
0x1dc: {  	v7 =	vadd.f32 v7, v12;
	[tilespmem:s25+$0x50] =	vst v9;
	v9 =	vld [tilespmem:s25+$0xC0]  }
0x1dd: {  	[tilespmem:s25+$0x60] =	vst v8;
	v5 =	vadd.f32 v5, v16;
	v8 =	vld [tilespmem:s25+$0xD0]  }
0x1de: {  	[tilespmem:s20+$0x70] =	vst v7;
	v6 =	vadd.f32 v6, v15;
	v7 =	vld [tilespmem:s20+$0xE0]  }
0x1df: {  	v4 =	vadd.f32 v4, v11;
	[tilespmem:s20+$0x80] =	vst v5  }
0x1e0: {  	v3 =	vadd.f32 v3, v10;
	[tilespmem:s20+$0x90] =	vst v6  }
0x1e1: {  	v2 =	vadd.f32 v2, v9;
	[tilespmem:s20+$0xA0] =	vst v4  }
0x1e2: {  	v1 =	vadd.f32 v1, v8;
	[tilespmem:s20+$0xB0] =	vst v3  }
0x1e3: {  	s16 =	sshll.u32 s16, $0xB;
	v0 =	vadd.f32 v0, v7;
	[tilespmem:s20+$0xC0] =	vst v2  }
0x1e4: {  	s16 =	sand.u32 $0x1FFFF000, s16;
	[tilespmem:s20+$0xD0] =	vst v1  }
0x1e5: {  	s26 =	simm.s32 $0x14800;
	s16 =	sadd.s32 s4, s16;
	[tilespmem:s20+$0xE0] =	vst v0  }
0x1e6: {  	[hbm4b:s16+s5] =	stream.linear.scatter [tilespmem:s26], [sflag:$0xB], $0x4000, $0x38;
	[tilespmem:$0x1C800] =	vst v63  }
0x1e7: {  	_ =	swait.ge [sflag:s3], $0x2000  }
0x1e8: {  	[sflag:s3] =	ssyncset.done $0x0  }
0x1e9: {  	[sflag:s3] =	ssyncadd.s32 $0xFFFFE000  }
0x1ea: {  	_ =	swait.ge [sflag:s13], $0x2000  }
0x1eb: {  	[sflag:s13] =	ssyncset.done $0x0  }
0x1ec: {  	[sflag:s13] =	ssyncadd.s32 $0xFFFFE000  }
0x1ed: {  	_ =	swait.ge [sflag:s17], $0x4000  }
0x1ee: {  	s18 =	simm.s32 @!p0 $0x40;
	s19 =	simm.s32 @!p0 $0x10800;
	[sflag:s17] =	ssyncset.done $0x0  }
0x1ef: {  	s22 =	sadd.s32 $0xFFFFFFFC, s7;
	s16 =	sadd.s32 @!p0 $0x280, s21;
	[sflag:s17] =	ssyncadd.s32 $0xFFFFC000  }
0x1f0: {  	[tilespmem:s19], [sflag:$0x3] =	stream.indirect.gather @!p0 [hbm4b:s1+s18], $0x80, s16, s18, $0xb8;
	[tilespmem:$0x1C800] =	vst v63  }
0x1f1: {  	s23 =	sadd.s32 $0x187, s22;
	s16 =	sadd.s32 @!p0 $0x2C0, s21;
	s19 =	simm.s32 @!p0 $0x12800  }
0x1f2: {  	[tilespmem:s19], [sflag:$0x4] =	stream.indirect.gather @!p0 [hbm4b:s1+s18], $0x80, s16, s18, $0xb8;
	[tilespmem:$0x1C800] =	vst v63  }
0x1f3: {  	p0 =	slt.u32 s23, $0xC8;
	s18 =	simm.s32 $0x0  }
0x1f4: {  	s18 =	simm.s32 @!p0 $0x7FFF38  }
0x1f5: {  	s18 =	sadd.s32 s18, s22  }
0x1f6: {  	s24 =	sshll.u32 s18, $0x9;
	s18 =	simm.s32 $0x18900  }
0x1f7: {  	v12 =	vld [tilespmem:s18+$0xF0]  }
0x1f8: {  	v33 =	vld [tilespmem:s18+$0xFFFFFF00]  }
0x1f9: {  	v34 =	vld [tilespmem:s18+$0xFFFFFF10]  }
0x1fa: {  	v35 =	vld [tilespmem:s18+$0xFFFFFF20]  }
0x1fb: {  	v36 =	vld [tilespmem:s18+$0xFFFFFF30]  }
0x1fc: {  	v37 =	vld [tilespmem:s18+$0xFFFFFF40]  }
0x1fd: {  	v61 =	vld [tilespmem:s18+$0xFFFFFF60]  }
0x1fe: {  	s19 =	sadd.s32 $0x30E00, s24;
	v62 =	vld [tilespmem:s18+$0x0]  }
0x1ff: {  	v63 =	vld [tilespmem:s18+$0x20];
	s19 =	sshra.s32 s19, $0x2  }
0x200: {  	v13 =	vld [tilespmem:s19+$0x6470]  }
0x201: {  	s25 =	sadd.s32 $0x184, s22;
	v5 =	vld [tilespmem:s19+$0x6400]  }
0x202: {  	s20 =	simm.s32 $0x0;
	p0 =	slt.u32 s25, $0xC8;
	v6 =	vld [tilespmem:s19+$0x6410]  }
0x203: {  	s20 =	simm.s32 @!p0 $0x7FFF38;
	v4 =	vld [tilespmem:s19+$0x6420]  }
0x204: {  	s20 =	sadd.s32 s20, s22;
	v3 =	vld [tilespmem:s19+$0x6430]  }
0x205: {  	s20 =	sshll.u32 s20, $0x9;
	v2 =	vld [tilespmem:s19+$0x6440]  }
0x206: {  	s20 =	sadd.s32 $0x30800, s20;
	v1 =	vld [tilespmem:s19+$0x6450]  }
0x207: {  	s20 =	sshra.s32 s20, $0x2;
	v0 =	vld [tilespmem:s19+$0x6460]  }
0x208: {  	v14 =	vld [tilespmem:s20+$0x6400]  }
0x209: {  	v15 =	vld [tilespmem:s20+$0x6410]  }
0x20a: {  	s28 =	sadd.s32 $0x185, s22;
	v16 =	vld [tilespmem:s20+$0x6420]  }
0x20b: {  	p0 =	slt.u32 s28, $0xC8;
	s19 =	simm.s32 $0x0;
	v17 =	vld [tilespmem:s20+$0x6430]  }
0x20c: {  	s19 =	simm.s32 @!p0 $0x7FFF38;
	v18 =	vld [tilespmem:s20+$0x6440]  }
0x20d: {  	v19 =	vld [tilespmem:s20+$0x6450];
	s19 =	sadd.s32 s19, s22  }
0x20e: {  	v20 =	vld [tilespmem:s20+$0x6460];
	s19 =	sshll.u32 s19, $0x9  }
0x20f: {  	v21 =	vld [tilespmem:s20+$0x6470];
	s19 =	sadd.s32 $0x30A00, s19  }
0x210: {  	s19 =	sshra.s32 s19, $0x2;
	v12 =	vadd.f32 v13, v12;
	v13 =	vld [tilespmem:s18+$0xFFFFFF50]  }
0x211: {  	v22 =	vld [tilespmem:s19+$0x6400]  }
0x212: {  	s30 =	sadd.s32 $0x186, s22;
	v23 =	vld [tilespmem:s19+$0x6410]  }
0x213: {  	p0 =	slt.u32 s30, $0xC8;
	s20 =	simm.s32 $0x0;
	v24 =	vld [tilespmem:s19+$0x6420]  }
0x214: {  	s20 =	simm.s32 @!p0 $0x7FFF38;
	v25 =	vld [tilespmem:s19+$0x6430]  }
0x215: {  	s16 =	sadd.s32 s20, s22;
	v26 =	vld [tilespmem:s19+$0x6440]  }
0x216: {  	s16 =	sshll.u32 s16, $0x9;
	v27 =	vld [tilespmem:s19+$0x6450]  }
0x217: {  	s16 =	sadd.s32 $0x30C00, s16;
	v28 =	vld [tilespmem:s19+$0x6460]  }
0x218: {  	s16 =	sshra.s32 s16, $0x2;
	v29 =	vld [tilespmem:s19+$0x6470]  }
0x219: {  	v30 =	vld [tilespmem:s16+$0x6400]  }
0x21a: {  	v31 =	vld [tilespmem:s16+$0x6410]  }
0x21b: {  	v32 =	vld [tilespmem:s16+$0x6420]  }
0x21c: {  	v11 =	vld [tilespmem:s16+$0x6430]  }
0x21d: {  	v14 =	vadd.f32 v14, v33;
	v10 =	vld [tilespmem:s16+$0x6440]  }
0x21e: {  	v16 =	vadd.f32 v16, v35;
	v9 =	vld [tilespmem:s16+$0x6450];
	[tilespmem:s18+$0xF0] =	vst v12  }
0x21f: {  	v12 =	vadd.f32 v15, v34;
	v15 =	vld [tilespmem:s18+$0xFFFFFF70];
	[tilespmem:s18+$0xFFFFFF00] =	vst v14  }
0x220: {  	v17 =	vadd.f32 v17, v36;
	v14 =	vld [tilespmem:s18+$0xFFFFFF80];
	[tilespmem:s18+$0xFFFFFF20] =	vst v16  }
0x221: {  	v18 =	vadd.f32 v18, v37;
	[tilespmem:s18+$0xFFFFFF10] =	vst v12;
	v12 =	vld [tilespmem:s18+$0xFFFFFF90]  }
0x222: {  	v16 =	vld [tilespmem:s18+$0xFFFFFFA0];
	[tilespmem:s18+$0xFFFFFF30] =	vst v17;
	v13 =	vadd.f32 v19, v13  }
0x223: {  	v17 =	vld [tilespmem:s18+$0xFFFFFFB0];
	[tilespmem:s18+$0xFFFFFF40] =	vst v18;
	v19 =	vadd.f32 v20, v61  }
0x224: {  	v18 =	vld [tilespmem:s18+$0xFFFFFFC0];
	v15 =	vadd.f32 v21, v15;
	[tilespmem:s18+$0xFFFFFF50] =	vst v13  }
0x225: {  	v13 =	vld [tilespmem:s18+$0xFFFFFFD0];
	[tilespmem:s18+$0xFFFFFF60] =	vst v19;
	v14 =	vadd.f32 v22, v14  }
0x226: {  	v19 =	vld [tilespmem:s18+$0xFFFFFFE0];
	[tilespmem:s18+$0xFFFFFF70] =	vst v15;
	v12 =	vadd.f32 v23, v12  }
0x227: {  	v8 =	vld [tilespmem:s16+$0x6460];
	v15 =	vadd.f32 v24, v16;
	[tilespmem:s18+$0xFFFFFF80] =	vst v14  }
0x228: {  	v20 =	vld [tilespmem:s18+$0xFFFFFFF0];
	v14 =	vadd.f32 v25, v17;
	[tilespmem:s18+$0xFFFFFF90] =	vst v12  }
0x229: {  	v7 =	vld [tilespmem:s16+$0x6470];
	v12 =	vadd.f32 v26, v18;
	[tilespmem:s18+$0xFFFFFFA0] =	vst v15  }
0x22a: {  	v17 =	vld [tilespmem:s18+$0x10];
	v13 =	vadd.f32 v27, v13;
	[tilespmem:s18+$0xFFFFFFB0] =	vst v14  }
0x22b: {  	v16 =	vld [tilespmem:s18+$0x30];
	v18 =	vadd.f32 v28, v19;
	[tilespmem:s18+$0xFFFFFFC0] =	vst v12  }
0x22c: {  	v15 =	vld [tilespmem:s18+$0x40];
	v19 =	vadd.f32 v30, v62;
	[tilespmem:s18+$0xFFFFFFD0] =	vst v13  }
0x22d: {  	v14 =	vld [tilespmem:s18+$0x50];
	v12 =	vadd.f32 v29, v20;
	[tilespmem:s18+$0xFFFFFFE0] =	vst v18  }
0x22e: {  	v13 =	vld [tilespmem:s18+$0x60];
	[tilespmem:s18+$0x0] =	vst v19  }
0x22f: {  	s14 =	sadd.s32 s6, s14;
	s19 =	simm.s32 $0x0;
	s16 =	simm.s32 $0x18900;
	[tilespmem:s18+$0xFFFFFFF0] =	vst v12;
	v12 =	vld [tilespmem:s18+$0x70];
	v18 =	vadd.f32 v31, v17;
	v17 =	vadd.f32 v32, v63  }
.LBB2_9:
0x230: {  	s20 =	sadd.s32 s19, s7  }
0x231: {  	s19 =	sadd.s32 $0x4, s19;
	s21 =	sadd.s32 $0x184, s20  }
0x232: {  	v11 =	vadd.f32 v11, v16;
	[tilespmem:s18+$0x10] =	vst v18;
	v16 =	vld [tilespmem:s18+$0x80];
	s22 =	sadd.s32 $0x187, s20;
	p0 =	slt.u32 s19, $0x7C;
	s23 =	sadd.s32 $0x185, s20  }
0x233: {  	v10 =	vadd.f32 v10, v15;
	[tilespmem:s18+$0x20] =	vst v17;
	v15 =	vld [tilespmem:s18+$0x90];
	s24 =	sadd.s32 $0x186, s20;
	p2 =	slt.u32 s22, $0xC8;
	p3 =	slt.u32 s21, $0xC8  }
0x234: {  	v9 =	vadd.f32 v9, v14;
	[tilespmem:s18+$0x30] =	vst v11;
	v11 =	vld [tilespmem:s18+$0xA0];
	p1 =	slt.u32 s23, $0xC8;
	s21 =	simm.s32 $0x0;
	s22 =	simm.s32 $0x0  }
0x235: {  	s23 =	simm.s32 $0x0;
	s21 =	simm.s32 @!p2 $0x7FFF38;
	v8 =	vadd.f32 v8, v13;
	[tilespmem:s18+$0x40] =	vst v10;
	v10 =	vld [tilespmem:s18+$0xB0];
	s22 =	simm.s32 @!p3 $0x7FFF38  }
0x236: {  	p2 =	slt.u32 s24, $0xC8;
	s24 =	simm.s32 $0x0;
	s21 =	sadd.s32 s21, s20;
	v7 =	vadd.f32 v7, v12;
	[tilespmem:s18+$0x50] =	vst v9;
	v9 =	vld [tilespmem:s18+$0xC0]  }
0x237: {  	s23 =	simm.s32 @!p1 $0x7FFF38;
	s24 =	simm.s32 @!p2 $0x7FFF38;
	s21 =	sshll.u32 s21, $0x9;
	[tilespmem:s18+$0x60] =	vst v8;
	v5 =	vadd.f32 v5, v16;
	v8 =	vld [tilespmem:s18+$0xD0]  }
0x238: {  	s22 =	sadd.s32 s22, s20;
	s18 =	sadd.s32 $0x200, s18;
	s21 =	sadd.s32 $0x30E00, s21;
	[tilespmem:s16+$0x70] =	vst v7;
	v6 =	vadd.f32 v6, v15;
	v7 =	vld [tilespmem:s16+$0xE0]  }
0x239: {  	s23 =	sadd.s32 s23, s20;
	s20 =	sadd.s32 s24, s20;
	s21 =	sshra.s32 s21, $0x2;
	v12 =	vld [tilespmem:s18+$0xF0];
	v4 =	vadd.f32 v4, v11;
	[tilespmem:s16+$0x80] =	vst v5  }
0x23a: {  	s22 =	sshll.u32 s22, $0x9;
	s23 =	sshll.u32 s23, $0x9;
	s20 =	sshll.u32 s20, $0x9;
	v11 =	vld [tilespmem:s21+$0x6470];
	v3 =	vadd.f32 v3, v10;
	[tilespmem:s16+$0x90] =	vst v6  }
0x23b: {  	s22 =	sadd.s32 $0x30800, s22;
	s23 =	sadd.s32 $0x30A00, s23;
	s20 =	sadd.s32 $0x30C00, s20;
	v5 =	vld [tilespmem:s21+$0x6400];
	v2 =	vadd.f32 v2, v9;
	[tilespmem:s16+$0xA0] =	vst v4  }
0x23c: {  	s22 =	sshra.s32 s22, $0x2;
	s23 =	sshra.s32 s23, $0x2;
	s20 =	sshra.s32 s20, $0x2;
	v6 =	vld [tilespmem:s21+$0x6410];
	v1 =	vadd.f32 v1, v8;
	[tilespmem:s16+$0xB0] =	vst v3  }
0x23d: {  	v4 =	vld [tilespmem:s21+$0x6420];
	v0 =	vadd.f32 v0, v7;
	[tilespmem:s16+$0xC0] =	vst v2  }
0x23e: {  	v3 =	vld [tilespmem:s21+$0x6430];
	[tilespmem:s16+$0xD0] =	vst v1  }
0x23f: {  	v2 =	vld [tilespmem:s21+$0x6440];
	v7 =	vadd.f32 v11, v12;
	[tilespmem:s16+$0xE0] =	vst v0;
	s16 =	smov.u32 s18  }
0x240: {  	v1 =	vld [tilespmem:s21+$0x6450]  }
0x241: {  	v0 =	vld [tilespmem:s21+$0x6460];
	[tilespmem:s18+$0xF0] =	vst v7  }
0x242: {  	v12 =	vld [tilespmem:s22+$0x6400]  }
0x243: {  	v13 =	vld [tilespmem:s22+$0x6410]  }
0x244: {  	v14 =	vld [tilespmem:s22+$0x6420]  }
0x245: {  	v15 =	vld [tilespmem:s22+$0x6430]  }
0x246: {  	v16 =	vld [tilespmem:s22+$0x6440]  }
0x247: {  	v17 =	vld [tilespmem:s22+$0x6450]  }
0x248: {  	v18 =	vld [tilespmem:s22+$0x6460]  }
0x249: {  	v19 =	vld [tilespmem:s22+$0x6470]  }
0x24a: {  	v20 =	vld [tilespmem:s23+$0x6400]  }
0x24b: {  	v21 =	vld [tilespmem:s23+$0x6410]  }
0x24c: {  	v22 =	vld [tilespmem:s23+$0x6420]  }
0x24d: {  	v23 =	vld [tilespmem:s23+$0x6430]  }
0x24e: {  	v24 =	vld [tilespmem:s23+$0x6440]  }
0x24f: {  	v25 =	vld [tilespmem:s23+$0x6450]  }
0x250: {  	v26 =	vld [tilespmem:s23+$0x6460]  }
0x251: {  	v27 =	vld [tilespmem:s23+$0x6470]  }
0x252: {  	v28 =	vld [tilespmem:s20+$0x6400]  }
0x253: {  	v29 =	vld [tilespmem:s20+$0x6410]  }
0x254: {  	v30 =	vld [tilespmem:s20+$0x6420]  }
0x255: {  	v11 =	vld [tilespmem:s20+$0x6430]  }
0x256: {  	v10 =	vld [tilespmem:s20+$0x6440]  }
0x257: {  	v9 =	vld [tilespmem:s20+$0x6450]  }
0x258: {  	v8 =	vld [tilespmem:s20+$0x6460]  }
0x259: {  	v7 =	vld [tilespmem:s20+$0x6470]  }
0x25a: {  	v31 =	vld [tilespmem:s18+$0xFFFFFF00]  }
0x25b: {  	v32 =	vld [tilespmem:s18+$0xFFFFFF10]  }
0x25c: {  	v33 =	vld [tilespmem:s18+$0xFFFFFF20]  }
0x25d: {  	v34 =	vld [tilespmem:s18+$0xFFFFFF30]  }
0x25e: {  	v35 =	vld [tilespmem:s18+$0xFFFFFF40]  }
0x25f: {  	v12 =	vadd.f32 v12, v31;
	v31 =	vld [tilespmem:s18+$0xFFFFFF50]  }
0x260: {  	v13 =	vadd.f32 v13, v32;
	v32 =	vld [tilespmem:s18+$0xFFFFFF60]  }
0x261: {  	v14 =	vadd.f32 v14, v33;
	v33 =	vld [tilespmem:s18+$0xFFFFFF70];
	[tilespmem:s18+$0xFFFFFF00] =	vst v12  }
0x262: {  	v12 =	vadd.f32 v15, v34;
	[tilespmem:s18+$0xFFFFFF10] =	vst v13;
	v13 =	vld [tilespmem:s18+$0xFFFFFF80]  }
0x263: {  	v15 =	vadd.f32 v16, v35;
	[tilespmem:s18+$0xFFFFFF20] =	vst v14;
	v14 =	vld [tilespmem:s18+$0xFFFFFF90]  }
0x264: {  	v16 =	vadd.f32 v17, v31;
	[tilespmem:s18+$0xFFFFFF30] =	vst v12;
	v12 =	vld [tilespmem:s18+$0xFFFFFFA0]  }
0x265: {  	v17 =	vadd.f32 v18, v32;
	[tilespmem:s18+$0xFFFFFF40] =	vst v15;
	v15 =	vld [tilespmem:s18+$0xFFFFFFB0]  }
0x266: {  	v18 =	vadd.f32 v19, v33;
	[tilespmem:s18+$0xFFFFFF50] =	vst v16;
	v16 =	vld [tilespmem:s18+$0xFFFFFFC0]  }
0x267: {  	[tilespmem:s18+$0xFFFFFF60] =	vst v17;
	v13 =	vadd.f32 v20, v13;
	v17 =	vld [tilespmem:s18+$0xFFFFFFD0]  }
0x268: {  	[tilespmem:s18+$0xFFFFFF70] =	vst v18;
	v14 =	vadd.f32 v21, v14;
	v18 =	vld [tilespmem:s18+$0xFFFFFFE0]  }
0x269: {  	v12 =	vadd.f32 v22, v12;
	v19 =	vld [tilespmem:s18+$0xFFFFFFF0];
	[tilespmem:s18+$0xFFFFFF80] =	vst v13  }
0x26a: {  	v13 =	vadd.f32 v23, v15;
	[tilespmem:s18+$0xFFFFFF90] =	vst v14;
	v14 =	vld [tilespmem:s18+$0x0]  }
0x26b: {  	v15 =	vadd.f32 v24, v16;
	[tilespmem:s18+$0xFFFFFFA0] =	vst v12;
	v12 =	vld [tilespmem:s18+$0x10]  }
0x26c: {  	v17 =	vadd.f32 v25, v17;
	[tilespmem:s18+$0xFFFFFFB0] =	vst v13;
	v20 =	vld [tilespmem:s18+$0x20]  }
.Ltmp3:
0x26d: {  	v13 =	vadd.f32 v26, v18;
	[tilespmem:s18+$0xFFFFFFC0] =	vst v15;
	v16 =	vld [tilespmem:s18+$0x30];
	(pc) =	sbr.rel @p0 .LBB2_9-.Ltmp3, $4  }
0x26e: {  	v18 =	vadd.f32 v27, v19;
	[tilespmem:s18+$0xFFFFFFD0] =	vst v17;
	v15 =	vld [tilespmem:s18+$0x40]  }
0x26f: {  	[tilespmem:s18+$0xFFFFFFE0] =	vst v13;
	v19 =	vadd.f32 v28, v14;
	v14 =	vld [tilespmem:s18+$0x50]  }
0x270: {  	[tilespmem:s18+$0xFFFFFFF0] =	vst v18;
	v18 =	vadd.f32 v29, v12;
	v13 =	vld [tilespmem:s18+$0x60]  }
0x271: {  	v17 =	vadd.f32 v30, v20;
	v12 =	vld [tilespmem:s18+$0x70];
	[tilespmem:s18+$0x0] =	vst v19  }
0x272: {  	v11 =	vadd.f32 v11, v16;
	[tilespmem:s18+$0x10] =	vst v18;
	v57 =	vld [tilespmem:s18+$0x80]  }
0x273: {  	v58 =	vld [tilespmem:s18+$0x90];
	v10 =	vadd.f32 v10, v15;
	[tilespmem:s18+$0x20] =	vst v17  }
0x274: {  	v59 =	vld [tilespmem:s18+$0xA0];
	v9 =	vadd.f32 v9, v14;
	[tilespmem:s18+$0x30] =	vst v11  }
0x275: {  	v60 =	vld [tilespmem:s18+$0xB0];
	v8 =	vadd.f32 v8, v13;
	[tilespmem:s18+$0x40] =	vst v10  }
0x276: {  	v61 =	vld [tilespmem:s18+$0xC0];
	v7 =	vadd.f32 v7, v12;
	[tilespmem:s18+$0x50] =	vst v9  }
0x277: {  	v62 =	vld [tilespmem:s18+$0xD0];
	[tilespmem:s18+$0x60] =	vst v8;
	v5 =	vadd.f32 v5, v57  }
0x278: {  	v63 =	vld [tilespmem:s16+$0xE0];
	v6 =	vadd.f32 v6, v58;
	[tilespmem:s16+$0x70] =	vst v7  }
0x279: {  	v4 =	vadd.f32 v4, v59;
	[tilespmem:s16+$0x80] =	vst v5  }
0x27a: {  	s8 =	sadd.s32 $0x1, s8;
	v3 =	vadd.f32 v3, v60;
	[tilespmem:s16+$0x90] =	vst v6  }
0x27b: {  	p0 =	sne.s32 s8, $0x32;
	v2 =	vadd.f32 v2, v61;
	[tilespmem:s16+$0xA0] =	vst v4  }
.Ltmp4:
0x27c: {  	v1 =	vadd.f32 v1, v62;
	[tilespmem:s16+$0xB0] =	vst v3;
	(pc) =	sbr.rel @p0 .LBB2_2-.Ltmp4, $4  }
0x27d: {  	s7 =	sshll.u32 s14, $0xB;
	v0 =	vadd.f32 v0, v63;
	[tilespmem:s16+$0xC0] =	vst v2  }
0x27e: {  	s9 =	sadd.s32 $0x200, s9;
	s10 =	sadd.s32 $0x200, s10;
	s7 =	sand.u32 $0x1FFFF800, s7;
	[tilespmem:s16+$0xD0] =	vst v1  }
0x27f: {  	s11 =	sadd.s32 $0x200, s11;
	s12 =	sadd.s32 $0x200, s12;
	s7 =	sadd.s32 s4, s7;
	[tilespmem:s16+$0xE0] =	vst v0  }
0x280: {  	[hbm4b:s7+s5] =	stream.linear.scatter [tilespmem:s29], [sflag:$0xC], $0x4000, $0x38;
	[tilespmem:$0x1C800] =	vst v63  }
0x281: {  	s7 =	simm.s32 $0xB  }
0x282: {  	_ =	swait.ge [sflag:s7], $0x4000  }
0x283: {  	[sflag:s7] =	ssyncset.done $0x0  }
0x284: {  	s8 =	simm.s32 $0xC;
	[sflag:s7] =	ssyncadd.s32 $0xFFFFC000  }
0x285: {  	_ =	swait.ge [sflag:s8], $0x4000  }
0x286: {  	s9 =	rddreg [dreg:$0xb]  }
0x287: {  	s30 =	rddreg [dreg:$0x6];
	s9 =	sadd.s32 $0x1, s9  }
0x288: {  	p0 =	sne.s32 s9, s30  }
.Ltmp5:
0x289: {  	_ = 	snop;
	(pc) =	sbr.rel @p0 .LBB2_1-.Ltmp5, $3  }
0x28a: {  	_ =	sdelay $0x1  }
0x28b: {  	[sflag:s8] =	ssyncset.done $0x0  }
0x28c: {  	[sflag:s8] =	ssyncadd.s32 $0xFFFFC000  }
0x28d: {  	_ =	sfence.sel $0x180000  }
0x28e: {  	[bflag:$0x0] =	sbarrier.arrive $0xFFFF  }
0x28f: {  	_ =	strace $0x90000047  }
0x290: {  	s0 =	stileid.u32;
	[bflag:$0x2] =	sbarrier.arrive $0xFFFF  }
0x291: {  	p0 =	sne.s32 s0, $0x0;
	s0 =	rddreg [dreg:$0x4]  }
0x292: {  	s0 =	sadd.s32 @!p0 $0x100000, s0  }
0x293: {  	[sflag:s0] =	ssyncadd.tile.s32 @!p0 $0x1;
	_ =	shalt  }
.Lfunc_end2:
_tile_overlayer_lowered:
.L_overlay_start_2:
0x294: {  	(tag) =	ssettag $0x2  }
0x295: {  	s0 =	rddreg [dreg:$0x0];
	s2 =	stileid.u32  }
0x296: {  	s1 =	rddreg [dreg:$0x1];
	p0 =	sne.s32 s2, $0x0  }
0x297: {  	s3 =	rddreg [dreg:$0x2];
	[bflag:$0x3] =	sbarrier.arrive $0xFFFF;
	s2 =	simm.s32 @!p0 $0x1C0D  }
0x298: {  	[timem:s3], [sflag:s2] =	dma.local @!p0 [hbm:s0], s1  }
0x299: {  	s0 =	simm.s32 @!p0 $0xD  }
0x29a: {  	_ =	swait.ge @!p0 [sflag:s0], s1  }
0x29b: {  	s1 =	ssub.s32 @!p0 $0x0, s1;
	[sflag:s0] =	ssyncset.done @!p0 $0x0  }
0x29c: {  	[sflag:s0] =	ssyncadd.s32 @!p0 s1  }
0x29d: {  	[bflag:$0x3] =	sbarrier.arrive $0xFFFF  }
0x29e: {  	_ =	shalt  }

</sc_bundles>
